<compile_context>
chip_gen: v7x
topology: tpu7x:2x2x1
jax: 0.10.2.dev20260603
libtpu: 0.0.44.dev20260713+nightly
codegen_flags: <defaults>
</compile_context>

<pallas_src>
import functools

import jax
import jax.numpy as jnp
from jax import lax
from jax.experimental import pallas as pl
from jax.experimental.pallas import tpu as pltpu
from jax.experimental.pallas import tpu_sc as plsc

N = 10000
E = 320000
D = 128
R = 3
G = 32
NSC = 2
NT = 16
SEG = 128
EP = 327680
ET = EP // NT
NCH = ET // SEG
ACC_ROWS = 10240
ACC_PT = ACC_ROWS // NT


EH = EP // NSC
ETD = EH // NT
NCHD = ETD // SEG


def _sc_edge_phase(table, gidx_all, dstp, zacc, onesrc):
    mesh = plsc.VectorSubcoreMesh(core_axis_name="c", subcore_axis_name="s")
    NB = 2

    @functools.partial(
        pl.kernel,
        out_type=(
            jax.ShapeDtypeStruct((NSC * ACC_ROWS, D), jnp.float32),
            jax.ShapeDtypeStruct((NSC * ACC_ROWS, D), jnp.float32),
        ),
        mesh=mesh,
        scratch_types=[
            pltpu.VMEM_SHARED((ACC_ROWS, D), jnp.float32),
            pltpu.VMEM((NB, SEG, D), jnp.float32),
            [pltpu.VMEM((SEG,), jnp.int32) for _ in range(NB)],
            [pltpu.VMEM((SEG,), jnp.int32) for _ in range(NB)],
            [pltpu.SemaphoreType.DMA for _ in range(NB)],
            [pltpu.SemaphoreType.DMA for _ in range(NB)],
        ],
    )
    def k(tab_ref, gix_ref, dix_ref, zacc_ref, ones_ref,
          agg_out, deg_out, acc, rows, gidx, dsti, gsem, ssem):
        cid = lax.axis_index("c")
        sid = lax.axis_index("s")
        my_rows = pl.ds(sid * ACC_PT, ACC_PT)
        o0 = cid * ACC_ROWS + sid * ACC_PT

        pltpu.sync_copy(zacc_ref, acc.at[my_rows])
        plsc.subcore_barrier()

        ebase = sid * ET

        def stage_and_gather(b, c):
            e0 = ebase + c * SEG
            pltpu.sync_copy(gix_ref.at[pl.ds(cid * EP + e0, SEG)], gidx[b])
            pltpu.sync_copy(dix_ref.at[pl.ds(e0, SEG)], dsti[b])
            pltpu.async_copy(tab_ref.at[gidx[b]], rows.at[b], gsem[b])

        for b in range(NB):
            stage_and_gather(b, b)

        def chunk_body(g, carry):
            scs = []
            for b in range(NB):
                pltpu.make_async_copy(tab_ref.at[gidx[b]], rows.at[b],
                                      gsem[b]).wait()
                scs.append(pltpu.async_copy(rows.at[b], acc.at[dsti[b]],
                                            ssem[b], add=True))
            for b in range(NB):
                scs[b].wait()
                nxt = g * NB + b + NB

                @pl.when(nxt < NCH)
                def _():
                    stage_and_gather(b, nxt)

            return carry

        lax.fori_loop(0, NCH // NB, chunk_body, 0)
        plsc.subcore_barrier()

        pltpu.sync_copy(acc.at[my_rows], agg_out.at[pl.ds(o0, ACC_PT)])
        pltpu.sync_copy(zacc_ref, acc.at[my_rows])
        ones = rows.at[0]
        pltpu.sync_copy(ones_ref, ones)
        plsc.subcore_barrier()

        dbase = cid * EH + sid * ETD

        def stage_dst(b, c):
            pltpu.sync_copy(dix_ref.at[pl.ds(dbase + c * SEG, SEG)], dsti[b])

        stage_dst(0, 0)

        def deg_body(gg, carry):
            pltpu.async_copy(ones, acc.at[dsti[0]], ssem[0], add=True)

            @pl.when(gg > 0)
            def _():
                pltpu.make_async_copy(ones, acc.at[dsti[1]], ssem[1]).wait()

            stage_dst(1, 2 * gg + 1)
            pltpu.async_copy(ones, acc.at[dsti[1]], ssem[1], add=True)
            pltpu.make_async_copy(ones, acc.at[dsti[0]], ssem[0]).wait()

            @pl.when(gg + 1 < NCHD // 2)
            def _():
                stage_dst(0, 2 * gg + 2)

            return carry

        lax.fori_loop(0, NCHD // 2, deg_body, 0)
        pltpu.make_async_copy(ones, acc.at[dsti[1]], ssem[1]).wait()
        plsc.subcore_barrier()

        pltpu.sync_copy(acc.at[my_rows], deg_out.at[pl.ds(o0, ACC_PT)])

    return k(table, gidx_all, dstp, zacc, onesrc)


def _tc_pre_phase(x, Wwr, Wvr):
    B = 1000

    def body(x_ref, wwr_ref, wvr_ref, out_ref):
        xb = x_ref[...]
        wwr = wwr_ref[...]
        wvr = wvr_ref[...]
        for r in range(R):
            out_ref[0, r] = jnp.dot(xb, wwr[r], preferred_element_type=jnp.float32)
            out_ref[1, r] = jnp.dot(xb, wvr[r], preferred_element_type=jnp.float32)

    return pl.pallas_call(
        body,
        grid=(N // B,),
        in_specs=[
            pl.BlockSpec((B, D), lambda i: (i, 0)),
            pl.BlockSpec((R, D, D), lambda i: (0, 0, 0)),
            pl.BlockSpec((R, D, D), lambda i: (0, 0, 0)),
        ],
        out_specs=pl.BlockSpec((NSC, R, B, D), lambda i: (0, 0, i, 0)),
        out_shape=jax.ShapeDtypeStruct((NSC, R, N, D), jnp.float32),
    )(x, Wwr, Wvr)


def _tc_dense_phase(aggw, aggv, x, scal, Wws, Wvs, Ww1, Wv1, w2c, bias):
    B = 1000

    def body(aw_ref, av_ref, x_ref, sc_ref, wws_ref, wvs_ref,
             ww1_ref, wv1_ref, w2_ref, bs_ref, out_ref):
        i = pl.program_id(0)
        xb = x_ref[...]
        sc = sc_ref[...]
        bs = bs_ref[...]

        rdeg = 1.0 / jnp.maximum(sc[:, 0:1], 1.0)
        hw = jnp.maximum(
            aw_ref[...] * rdeg
            + jnp.dot(xb, wws_ref[...], preferred_element_type=jnp.float32)
            + bs[0:1, :], 0.0)
        hv = jnp.maximum(
            av_ref[...] * rdeg
            + jnp.dot(xb, wvs_ref[...], preferred_element_type=jnp.float32)
            + bs[1:2, :], 0.0)

        gw = jnp.maximum(
            jnp.dot(hw, ww1_ref[...], preferred_element_type=jnp.float32)
            + bs[2:3, :], 0.0)
        gv = jnp.maximum(
            jnp.dot(hv, wv1_ref[...], preferred_element_type=jnp.float32)
            + bs[3:4, :], 0.0)

        w2 = w2_ref[...]
        fw = jnp.dot(gw, w2[:, 0:1], preferred_element_type=jnp.float32) + bs[4:5, 0:1]
        fv = jnp.dot(gv, w2[:, 1:2], preferred_element_type=jnp.float32) + bs[4:5, 1:2]

        m = (sc[:, 2:3] == 0.0) & (sc[:, 3:4] == 1.0)
        tot = jnp.where(m, jnp.abs(fw) * sc[:, 1:2] + fv, 0.0)

        gid = sc[:, 4:5]
        li = lax.broadcasted_iota(jnp.int32, (B, D), 1).astype(jnp.float32)
        og = jnp.where(gid == li, 1.0, 0.0)
        contrib = jnp.sum(og * tot, axis=0, keepdims=True)

        @pl.when(i == 0)
        def _():
            out_ref[...] = jnp.zeros((8, D), jnp.float32)

        out_ref[0:1, :] = out_ref[0:1, :] + contrib

    return pl.pallas_call(
        body,
        grid=(N // B,),
        in_specs=[
            pl.BlockSpec((B, D), lambda i: (i, 0)),
            pl.BlockSpec((B, D), lambda i: (i, 0)),
            pl.BlockSpec((B, D), lambda i: (i, 0)),
            pl.BlockSpec((B, 8), lambda i: (i, 0)),
            pl.BlockSpec((D, D), lambda i: (0, 0)),
            pl.BlockSpec((D, D), lambda i: (0, 0)),
            pl.BlockSpec((D, D), lambda i: (0, 0)),
            pl.BlockSpec((D, D), lambda i: (0, 0)),
            pl.BlockSpec((D, 2), lambda i: (0, 0)),
            pl.BlockSpec((8, D), lambda i: (0, 0)),
        ],
        out_specs=pl.BlockSpec((8, D), lambda i: (0, 0)),
        out_shape=jax.ShapeDtypeStruct((8, D), jnp.float32),
    )(aggw, aggv, x, scal, Wws, Wvs, Ww1, Wv1, w2c, bias)


def kernel(node_feature, edge_index, edge_type, node_type, assignment, qs,
           graph_ids, Ww_rel, Ww_self, bw_gn, Wv_rel, Wv_self, bv_gn,
           Ww1, bw1, Ww2, bw2, Wv1, bv1, Wv2, bv2):
    x = node_feature

    table = _tc_pre_phase(x, Ww_rel, Wv_rel).reshape(NSC * R * N, D)

    pad = EP - E
    ar = jnp.arange(pad, dtype=jnp.int32)
    srcp = jnp.concatenate([edge_index[0], ar % 4096])
    dstp = jnp.concatenate([edge_index[1], N + 16 + (ar & 127)])
    typep = jnp.concatenate([edge_type, jnp.zeros((pad,), jnp.int32)])
    gw = srcp + typep * N
    gidx_all = jnp.concatenate([gw, gw + R * N])

    zacc = jnp.zeros((ACC_PT, D), jnp.float32)
    onesrc = jnp.ones((SEG, D), jnp.float32)

    agg_out, deg_out = _sc_edge_phase(table, gidx_all, dstp, zacc, onesrc)

    aggw = agg_out[:N]
    aggv = agg_out[ACC_ROWS:ACC_ROWS + N]
    deg = (deg_out[:N, 0] + deg_out[ACC_ROWS:ACC_ROWS + N, 0])

    z = jnp.zeros((N,), jnp.float32)
    scal = jnp.stack(
        [deg, qs, node_type.astype(jnp.float32), assignment.astype(jnp.float32),
         graph_ids.astype(jnp.float32), z, z, z], axis=1)

    w2c = jnp.concatenate([Ww2, Wv2], axis=1)
    bias = jnp.zeros((8, D), jnp.float32)
    bias = bias.at[0].set(bw_gn).at[1].set(bv_gn).at[2].set(bw1).at[3].set(bv1)
    bias = bias.at[4, 0].set(bw2[0]).at[4, 1].set(bv2[0])

    out8 = _tc_dense_phase(aggw, aggv, x, scal, Ww_self, Wv_self,
                           Ww1, Wv1, w2c, bias)
    return out8[0, :G]

# --- scband reference (transcript-rebuilt; emitter-appended) ---
"""Pipeline reference for scband-sub-qmixer-14267881358090 (READ-ONLY COPY).

The authoritative reference and input builder live on the scoring server;
editing this copy changes nothing except your own understanding.
"""

import jax, jax.numpy as jnp
import numpy as np

N = 10000
E = 320000
D = 128
R = 3
G = 32
NODE_ALLY = 0
TARGET_ASSIGNMENT = 1


def setup_inputs(seed: int = 0):
    key = jax.random.key(seed)
    ks = jax.random.split(key, 16)
    s = 1.0 / np.sqrt(D)
    return {
        "node_feature": jax.random.normal(ks[0], (N, D), dtype=jnp.float32),
        "edge_index": jax.random.randint(ks[1], (2, E), 0, N, dtype=jnp.int32),
        "edge_type": jax.random.randint(ks[2], (E,), 0, R, dtype=jnp.int32),
        "node_type": jax.random.randint(ks[3], (N,), 0, 2, dtype=jnp.int32),
        "assignment": jax.random.randint(ks[4], (N,), 0, 4, dtype=jnp.int32),
        "qs": jax.random.normal(ks[5], (N,), dtype=jnp.float32),
        "graph_ids": jnp.sort(jax.random.randint(ks[6], (N,), 0, G, dtype=jnp.int32)),
        "Ww_rel": jax.random.normal(ks[7], (R, D, D), dtype=jnp.float32) * s,
        "Ww_self": jax.random.normal(ks[8], (D, D), dtype=jnp.float32) * s,
        "bw_gn": jnp.zeros((D,), dtype=jnp.float32),
        "Wv_rel": jax.random.normal(ks[9], (R, D, D), dtype=jnp.float32) * s,
        "Wv_self": jax.random.normal(ks[10], (D, D), dtype=jnp.float32) * s,
        "bv_gn": jnp.zeros((D,), dtype=jnp.float32),
        "Ww1": jax.random.normal(ks[11], (D, D), dtype=jnp.float32) * s,
        "bw1": jnp.zeros((D,), dtype=jnp.float32),
        "Ww2": jax.random.normal(ks[12], (D, 1), dtype=jnp.float32) * s,
        "bw2": jnp.zeros((1,), dtype=jnp.float32),
        "Wv1": jax.random.normal(ks[13], (D, D), dtype=jnp.float32) * s,
        "bv1": jnp.zeros((D,), dtype=jnp.float32),
        "Wv2": jax.random.normal(ks[14], (D, 1), dtype=jnp.float32) * s,
        "bv2": jnp.zeros((1,), dtype=jnp.float32),
    }


def _rgn(x, edge_index, edge_type, W_rel, W_self, b):
    # Relational graph network layer (R-GCN style): per-relation transform,
    # gather at src, degree-normalized scatter-add at dst, self-loop, ReLU.
    src = edge_index[0]
    dst = edge_index[1]
    xr = jnp.einsum('nd,rdh->rnh', x, W_rel)          # [R, N, D]
    msg = xr[edge_type, src]                          # gather -> [E, D]
    agg = jax.ops.segment_sum(msg, dst, num_segments=x.shape[0])
    deg = jax.ops.segment_sum(jnp.ones((src.shape[0],), dtype=x.dtype), dst,
                              num_segments=x.shape[0])
    agg = agg / jnp.maximum(deg, 1.0)[:, None]
    return jax.nn.relu(agg + x @ W_self + b)


def _ff(h, W1, b1, W2, b2):
    return jax.nn.relu(h @ W1 + b1) @ W2 + b2


def reference(node_feature, edge_index, edge_type, node_type, assignment, qs,
              graph_ids, Ww_rel, Ww_self, bw_gn, Wv_rel, Wv_self, bv_gn,
              Ww1, bw1, Ww2, bw2, Wv1, bv1, Wv2, bv2):
    # w branch
    w_emb = _rgn(node_feature, edge_index, edge_type, Ww_rel, Ww_self, bw_gn)
    w = jnp.abs(_ff(w_emb, Ww1, bw1, Ww2, bw2))       # [N, 1]
    # ally nodes assigned to the target sub-group
    mask = (node_type == NODE_ALLY) & (assignment == TARGET_ASSIGNMENT)
    _qs = jnp.where(mask[:, None], w * qs[:, None], 0.0)
    # dgl.sum_nodes over batched graph == segment_sum over graph ids
    q_tot = jax.ops.segment_sum(_qs, graph_ids, num_segments=G)
    # v branch
    v_emb = _rgn(node_feature, edge_index, edge_type, Wv_rel, Wv_self, bv_gn)
    v = _ff(v_emb, Wv1, bv1, Wv2, bv2)
    _v = jnp.where(mask[:, None], v, 0.0)
    v_tot = jax.ops.segment_sum(_v, graph_ids, num_segments=G)
    return (q_tot + v_tot).reshape(-1)

if __name__ == "__main__":
    import jax
    _d = setup_inputs()
    print(jax.jit(kernel)(*tuple(_d.values())))

</pallas_src>

<mosaic_0001>
#map = affine_map<(d0, d1) -> (0, 0)>
#map1 = affine_map<(d0, d1) -> (0)>
module attributes {stable_mosaic.version = 14 : i64} {
  func.func @k(%arg0: i32, %arg1: i32, %arg2: memref<60000x128xf32, #tpu.memory_space<hbm>>, %arg3: memref<655360xi32, #tpu.memory_space<hbm>>, %arg4: memref<327680xi32, #tpu.memory_space<hbm>>, %arg5: memref<640x128xf32, #tpu.memory_space<hbm>>, %arg6: memref<128x128xf32, #tpu.memory_space<hbm>>, %arg7: memref<20480x128xf32, #tpu.memory_space<hbm>>, %arg8: memref<20480x128xf32, #tpu.memory_space<hbm>>, %arg9: memref<10240x128xf32, #tpu.memory_space<vmem_shared>>, %arg10: memref<2x128x128xf32, #tpu.memory_space<vmem>>, %arg11: memref<128xi32, #tpu.memory_space<vmem>>, %arg12: memref<128xi32, #tpu.memory_space<vmem>>, %arg13: memref<128xi32, #tpu.memory_space<vmem>>, %arg14: memref<128xi32, #tpu.memory_space<vmem>>, %arg15: memref<!tpu.dma_semaphore, #tpu.memory_space<semaphore_mem>>, %arg16: memref<!tpu.dma_semaphore, #tpu.memory_space<semaphore_mem>>, %arg17: memref<!tpu.dma_semaphore, #tpu.memory_space<semaphore_mem>>, %arg18: memref<!tpu.dma_semaphore, #tpu.memory_space<semaphore_mem>>) attributes {dimension_semantics = [#tpu.dimension_semantics<core_parallel>, #tpu.dimension_semantics<subcore_parallel>], iteration_bounds = array<i64: 2, 16>, scalar_prefetch = 0 : i64, scratch_operands = 10 : i64, tpu.core_type = #tpu.core_type<sc_vector_subcore>, window_params = [{transform_indices = #map}, {transform_indices = #map1}, {transform_indices = #map1}, {transform_indices = #map}, {transform_indices = #map}, {transform_indices = #map}, {transform_indices = #map}]} {
    %mul3A = arith.constant 640 : i32
    %mul3A_0 = arith.muli %arg1, %mul3A : i32
    %mul3A_1 = arith.constant 10240 : i32
    %mul3A_2 = arith.muli %arg0, %mul3A_1 : i32
    %mul3A_3 = arith.constant 640 : i32
    %mul3A_4 = arith.muli %arg1, %mul3A_3 : i32
    %add3A = arith.addi %mul3A_2, %mul3A_4 : i32
    "tpu.region"() ({
      %run_scoped3A_61 = tpu.sem_alloc : memref<!tpu.dma_semaphore, #tpu.memory_space<semaphore_mem>>
      %dma_start3A_62 = arith.constant 0 : i32
      %dma_start3A_63 = tpu.memref_slice %arg9[%mul3A_0, %dma_start3A_62] : memref<10240x128xf32, #tpu.memory_space<vmem_shared>> -> memref<640x128xf32, #tpu.memory_space<vmem_shared>>
      tpu.enqueue_dma source(%arg5 : memref<640x128xf32, #tpu.memory_space<hbm>>) target(%dma_start3A_63 : memref<640x128xf32, #tpu.memory_space<vmem_shared>>) target_semaphore(%run_scoped3A_61 : memref<!tpu.dma_semaphore, #tpu.memory_space<semaphore_mem>>)
      %dma_wait3A_64 = arith.constant 0 : i32
      %dma_wait3A_65 = tpu.memref_slice %arg9[%mul3A_0, %dma_wait3A_64] : memref<10240x128xf32, #tpu.memory_space<vmem_shared>> -> memref<640x128xf32, #tpu.memory_space<vmem_shared>>
      tpu.wait_dma2 semaphore(%run_scoped3A_61 : memref<!tpu.dma_semaphore, #tpu.memory_space<semaphore_mem>>) src(%arg5 : memref<640x128xf32, #tpu.memory_space<hbm>>) dst(%dma_wait3A_65 : memref<640x128xf32, #tpu.memory_space<vmem_shared>>)
      tpu.yield
    }) : () -> ()
    %barrier3A = arith.constant 0 : index
    tpu.barrier barrier_id(%barrier3A)
    %mul3A_5 = arith.constant 20480 : i32
    %mul3A_6 = arith.muli %arg1, %mul3A_5 : i32
    %add3A_7 = arith.constant 0 : i32
    %add3A_8 = arith.addi %mul3A_6, %add3A_7 : i32
    %mul3A_9 = arith.constant 327680 : i32
    %mul3A_10 = arith.muli %arg0, %mul3A_9 : i32
    %add3A_11 = arith.addi %mul3A_10, %add3A_8 : i32
    "tpu.region"() ({
      %run_scoped3A_61 = tpu.sem_alloc : memref<!tpu.dma_semaphore, #tpu.memory_space<semaphore_mem>>
      %dma_start3A_62 = tpu.memref_slice %arg3[%add3A_11] : memref<655360xi32, #tpu.memory_space<hbm>> -> memref<128xi32, #tpu.memory_space<hbm>>
      %dma_start3A_63 = tpu.memref_slice %arg3[%add3A_11] : memref<655360xi32, #tpu.memory_space<hbm>> -> memref<128xi32, #tpu.memory_space<hbm>>
      tpu.enqueue_dma source(%dma_start3A_63 : memref<128xi32, #tpu.memory_space<hbm>>) target(%arg11 : memref<128xi32, #tpu.memory_space<vmem>>) target_semaphore(%run_scoped3A_61 : memref<!tpu.dma_semaphore, #tpu.memory_space<semaphore_mem>>)
      %dma_wait3A_64 = tpu.memref_slice %arg3[%add3A_11] : memref<655360xi32, #tpu.memory_space<hbm>> -> memref<128xi32, #tpu.memory_space<hbm>>
      %dma_wait3A_65 = tpu.memref_slice %arg3[%add3A_11] : memref<655360xi32, #tpu.memory_space<hbm>> -> memref<128xi32, #tpu.memory_space<hbm>>
      tpu.wait_dma2 semaphore(%run_scoped3A_61 : memref<!tpu.dma_semaphore, #tpu.memory_space<semaphore_mem>>) src(%dma_wait3A_65 : memref<128xi32, #tpu.memory_space<hbm>>) dst(%arg11 : memref<128xi32, #tpu.memory_space<vmem>>)
      tpu.yield
    }) : () -> ()
    "tpu.region"() ({
      %run_scoped3A_61 = tpu.sem_alloc : memref<!tpu.dma_semaphore, #tpu.memory_space<semaphore_mem>>
      %dma_start3A_62 = tpu.memref_slice %arg4[%add3A_8] : memref<327680xi32, #tpu.memory_space<hbm>> -> memref<128xi32, #tpu.memory_space<hbm>>
      %dma_start3A_63 = tpu.memref_slice %arg4[%add3A_8] : memref<327680xi32, #tpu.memory_space<hbm>> -> memref<128xi32, #tpu.memory_space<hbm>>
      tpu.enqueue_dma source(%dma_start3A_63 : memref<128xi32, #tpu.memory_space<hbm>>) target(%arg13 : memref<128xi32, #tpu.memory_space<vmem>>) target_semaphore(%run_scoped3A_61 : memref<!tpu.dma_semaphore, #tpu.memory_space<semaphore_mem>>)
      %dma_wait3A_64 = tpu.memref_slice %arg4[%add3A_8] : memref<327680xi32, #tpu.memory_space<hbm>> -> memref<128xi32, #tpu.memory_space<hbm>>
      %dma_wait3A_65 = tpu.memref_slice %arg4[%add3A_8] : memref<327680xi32, #tpu.memory_space<hbm>> -> memref<128xi32, #tpu.memory_space<hbm>>
      tpu.wait_dma2 semaphore(%run_scoped3A_61 : memref<!tpu.dma_semaphore, #tpu.memory_space<semaphore_mem>>) src(%dma_wait3A_65 : memref<128xi32, #tpu.memory_space<hbm>>) dst(%arg13 : memref<128xi32, #tpu.memory_space<vmem>>)
      tpu.yield
    }) : () -> ()
    %dma_start3A = arith.constant 0 : i32
    %dma_start3A_12 = arith.constant 0 : i32
    %dma_start3A_13 = arith.constant 0 : i32
    %dma_start3A_14 = tpu.memref_slice %arg10[%dma_start3A, %dma_start3A_12, %dma_start3A_13] : memref<2x128x128xf32, #tpu.memory_space<vmem>> -> memref<1x128x128xf32, #tpu.memory_space<vmem>>
    %dma_start3A_15 = tpu.memref_squeeze %dma_start3A_14 : memref<1x128x128xf32, #tpu.memory_space<vmem>> -> memref<128x128xf32, #tpu.memory_space<vmem>>
    %dma_start3A_16 = arith.constant 0 : i32
    %dma_start3A_17 = arith.constant 0 : i32
    %dma_start3A_18 = tpu.memref_slice %arg2[%dma_start3A_16, %dma_start3A_17] : memref<60000x128xf32, #tpu.memory_space<hbm>> -> memref<60000x128xf32, #tpu.memory_space<hbm>>
    tpu.enqueue_indirect_dma source(%dma_start3A_18 : memref<60000x128xf32, #tpu.memory_space<hbm>>) target(%dma_start3A_15 : memref<128x128xf32, #tpu.memory_space<vmem>>) offsets(%arg11 : memref<128xi32, #tpu.memory_space<vmem>>) semaphore(%arg15 : memref<!tpu.dma_semaphore, #tpu.memory_space<semaphore_mem>>)
    %add3A_19 = arith.constant 128 : i32
    %add3A_20 = arith.addi %mul3A_6, %add3A_19 : i32
    %mul3A_21 = arith.constant 327680 : i32
    %mul3A_22 = arith.muli %arg0, %mul3A_21 : i32
    %add3A_23 = arith.addi %mul3A_22, %add3A_20 : i32
    "tpu.region"() ({
      %run_scoped3A_61 = tpu.sem_alloc : memref<!tpu.dma_semaphore, #tpu.memory_space<semaphore_mem>>
      %dma_start3A_62 = tpu.memref_slice %arg3[%add3A_23] : memref<655360xi32, #tpu.memory_space<hbm>> -> memref<128xi32, #tpu.memory_space<hbm>>
      %dma_start3A_63 = tpu.memref_slice %arg3[%add3A_23] : memref<655360xi32, #tpu.memory_space<hbm>> -> memref<128xi32, #tpu.memory_space<hbm>>
      tpu.enqueue_dma source(%dma_start3A_63 : memref<128xi32, #tpu.memory_space<hbm>>) target(%arg12 : memref<128xi32, #tpu.memory_space<vmem>>) target_semaphore(%run_scoped3A_61 : memref<!tpu.dma_semaphore, #tpu.memory_space<semaphore_mem>>)
      %dma_wait3A_64 = tpu.memref_slice %arg3[%add3A_23] : memref<655360xi32, #tpu.memory_space<hbm>> -> memref<128xi32, #tpu.memory_space<hbm>>
      %dma_wait3A_65 = tpu.memref_slice %arg3[%add3A_23] : memref<655360xi32, #tpu.memory_space<hbm>> -> memref<128xi32, #tpu.memory_space<hbm>>
      tpu.wait_dma2 semaphore(%run_scoped3A_61 : memref<!tpu.dma_semaphore, #tpu.memory_space<semaphore_mem>>) src(%dma_wait3A_65 : memref<128xi32, #tpu.memory_space<hbm>>) dst(%arg12 : memref<128xi32, #tpu.memory_space<vmem>>)
      tpu.yield
    }) : () -> ()
    "tpu.region"() ({
      %run_scoped3A_61 = tpu.sem_alloc : memref<!tpu.dma_semaphore, #tpu.memory_space<semaphore_mem>>
      %dma_start3A_62 = tpu.memref_slice %arg4[%add3A_20] : memref<327680xi32, #tpu.memory_space<hbm>> -> memref<128xi32, #tpu.memory_space<hbm>>
      %dma_start3A_63 = tpu.memref_slice %arg4[%add3A_20] : memref<327680xi32, #tpu.memory_space<hbm>> -> memref<128xi32, #tpu.memory_space<hbm>>
      tpu.enqueue_dma source(%dma_start3A_63 : memref<128xi32, #tpu.memory_space<hbm>>) target(%arg14 : memref<128xi32, #tpu.memory_space<vmem>>) target_semaphore(%run_scoped3A_61 : memref<!tpu.dma_semaphore, #tpu.memory_space<semaphore_mem>>)
      %dma_wait3A_64 = tpu.memref_slice %arg4[%add3A_20] : memref<327680xi32, #tpu.memory_space<hbm>> -> memref<128xi32, #tpu.memory_space<hbm>>
      %dma_wait3A_65 = tpu.memref_slice %arg4[%add3A_20] : memref<327680xi32, #tpu.memory_space<hbm>> -> memref<128xi32, #tpu.memory_space<hbm>>
      tpu.wait_dma2 semaphore(%run_scoped3A_61 : memref<!tpu.dma_semaphore, #tpu.memory_space<semaphore_mem>>) src(%dma_wait3A_65 : memref<128xi32, #tpu.memory_space<hbm>>) dst(%arg14 : memref<128xi32, #tpu.memory_space<vmem>>)
      tpu.yield
    }) : () -> ()
    %dma_start3A_24 = arith.constant 1 : i32
    %dma_start3A_25 = arith.constant 0 : i32
    %dma_start3A_26 = arith.constant 0 : i32
    %dma_start3A_27 = tpu.memref_slice %arg10[%dma_start3A_24, %dma_start3A_25, %dma_start3A_26] : memref<2x128x128xf32, #tpu.memory_space<vmem>> -> memref<1x128x128xf32, #tpu.memory_space<vmem>>
    %dma_start3A_28 = tpu.memref_squeeze %dma_start3A_27 : memref<1x128x128xf32, #tpu.memory_space<vmem>> -> memref<128x128xf32, #tpu.memory_space<vmem>>
    %dma_start3A_29 = arith.constant 0 : i32
    %dma_start3A_30 = arith.constant 0 : i32
    %dma_start3A_31 = tpu.memref_slice %arg2[%dma_start3A_29, %dma_start3A_30] : memref<60000x128xf32, #tpu.memory_space<hbm>> -> memref<60000x128xf32, #tpu.memory_space<hbm>>
    tpu.enqueue_indirect_dma source(%dma_start3A_31 : memref<60000x128xf32, #tpu.memory_space<hbm>>) target(%dma_start3A_28 : memref<128x128xf32, #tpu.memory_space<vmem>>) offsets(%arg12 : memref<128xi32, #tpu.memory_space<vmem>>) semaphore(%arg16 : memref<!tpu.dma_semaphore, #tpu.memory_space<semaphore_mem>>)
    %scan3A = arith.constant 0 : i32
    %scan3A_32 = arith.constant 0 : i32
    %scan3A_33 = arith.constant 80 : i32
    %scan3A_34 = arith.addi %scan3A_32, %scan3A_33 : i32
    %scan3A_35 = arith.constant 1 : i32
    scf.for %scan3A_61 = %scan3A_32 to %scan3A_34 step %scan3A_35  : i32 {
      %dma_wait3A_62 = arith.constant 0 : i32
      %dma_wait3A_63 = arith.constant 0 : i32
      %dma_wait3A_64 = arith.constant 0 : i32
      %dma_wait3A_65 = tpu.memref_slice %arg10[%dma_wait3A_62, %dma_wait3A_63, %dma_wait3A_64] : memref<2x128x128xf32, #tpu.memory_space<vmem>> -> memref<1x128x128xf32, #tpu.memory_space<vmem>>
      %dma_wait3A_66 = tpu.memref_squeeze %dma_wait3A_65 : memref<1x128x128xf32, #tpu.memory_space<vmem>> -> memref<128x128xf32, #tpu.memory_space<vmem>>
      %dma_wait3A_67 = arith.constant 0 : i32
      %dma_wait3A_68 = arith.constant 0 : i32
      %dma_wait3A_69 = tpu.memref_slice %arg2[%dma_wait3A_67, %dma_wait3A_68] : memref<60000x128xf32, #tpu.memory_space<hbm>> -> memref<60000x128xf32, #tpu.memory_space<hbm>>
      tpu.wait_indirect_dma semaphore(%arg15 : memref<!tpu.dma_semaphore, #tpu.memory_space<semaphore_mem>>) src(%dma_wait3A_69 : memref<60000x128xf32, #tpu.memory_space<hbm>>) dst(%dma_wait3A_66 : memref<128x128xf32, #tpu.memory_space<vmem>>)
      %dma_start3A_70 = arith.constant 0 : i32
      %dma_start3A_71 = arith.constant 0 : i32
      %dma_start3A_72 = arith.constant 0 : i32
      %dma_start3A_73 = tpu.memref_slice %arg10[%dma_start3A_70, %dma_start3A_71, %dma_start3A_72] : memref<2x128x128xf32, #tpu.memory_space<vmem>> -> memref<1x128x128xf32, #tpu.memory_space<vmem>>
      %dma_start3A_74 = tpu.memref_squeeze %dma_start3A_73 : memref<1x128x128xf32, #tpu.memory_space<vmem>> -> memref<128x128xf32, #tpu.memory_space<vmem>>
      %dma_start3A_75 = arith.constant 0 : i32
      %dma_start3A_76 = arith.constant 0 : i32
      %dma_start3A_77 = tpu.memref_slice %arg9[%dma_start3A_75, %dma_start3A_76] : memref<10240x128xf32, #tpu.memory_space<vmem_shared>> -> memref<10240x128xf32, #tpu.memory_space<vmem_shared>>
      tpu.enqueue_indirect_dma source(%dma_start3A_74 : memref<128x128xf32, #tpu.memory_space<vmem>>) target(%dma_start3A_77 : memref<10240x128xf32, #tpu.memory_space<vmem_shared>>) offsets(%arg13 : memref<128xi32, #tpu.memory_space<vmem>>) semaphore(%arg17 : memref<!tpu.dma_semaphore, #tpu.memory_space<semaphore_mem>>) {add = true}
      %dma_wait3A_78 = arith.constant 1 : i32
      %dma_wait3A_79 = arith.constant 0 : i32
      %dma_wait3A_80 = arith.constant 0 : i32
      %dma_wait3A_81 = tpu.memref_slice %arg10[%dma_wait3A_78, %dma_wait3A_79, %dma_wait3A_80] : memref<2x128x128xf32, #tpu.memory_space<vmem>> -> memref<1x128x128xf32, #tpu.memory_space<vmem>>
      %dma_wait3A_82 = tpu.memref_squeeze %dma_wait3A_81 : memref<1x128x128xf32, #tpu.memory_space<vmem>> -> memref<128x128xf32, #tpu.memory_space<vmem>>
      %dma_wait3A_83 = arith.constant 0 : i32
      %dma_wait3A_84 = arith.constant 0 : i32
      %dma_wait3A_85 = tpu.memref_slice %arg2[%dma_wait3A_83, %dma_wait3A_84] : memref<60000x128xf32, #tpu.memory_space<hbm>> -> memref<60000x128xf32, #tpu.memory_space<hbm>>
      tpu.wait_indirect_dma semaphore(%arg16 : memref<!tpu.dma_semaphore, #tpu.memory_space<semaphore_mem>>) src(%dma_wait3A_85 : memref<60000x128xf32, #tpu.memory_space<hbm>>) dst(%dma_wait3A_82 : memref<128x128xf32, #tpu.memory_space<vmem>>)
      %dma_start3A_86 = arith.constant 1 : i32
      %dma_start3A_87 = arith.constant 0 : i32
      %dma_start3A_88 = arith.constant 0 : i32
      %dma_start3A_89 = tpu.memref_slice %arg10[%dma_start3A_86, %dma_start3A_87, %dma_start3A_88] : memref<2x128x128xf32, #tpu.memory_space<vmem>> -> memref<1x128x128xf32, #tpu.memory_space<vmem>>
      %dma_start3A_90 = tpu.memref_squeeze %dma_start3A_89 : memref<1x128x128xf32, #tpu.memory_space<vmem>> -> memref<128x128xf32, #tpu.memory_space<vmem>>
      %dma_start3A_91 = arith.constant 0 : i32
      %dma_start3A_92 = arith.constant 0 : i32
      %dma_start3A_93 = tpu.memref_slice %arg9[%dma_start3A_91, %dma_start3A_92] : memref<10240x128xf32, #tpu.memory_space<vmem_shared>> -> memref<10240x128xf32, #tpu.memory_space<vmem_shared>>
      tpu.enqueue_indirect_dma source(%dma_start3A_90 : memref<128x128xf32, #tpu.memory_space<vmem>>) target(%dma_start3A_93 : memref<10240x128xf32, #tpu.memory_space<vmem_shared>>) offsets(%arg14 : memref<128xi32, #tpu.memory_space<vmem>>) semaphore(%arg18 : memref<!tpu.dma_semaphore, #tpu.memory_space<semaphore_mem>>) {add = true}
      %dma_wait3A_94 = arith.constant 0 : i32
      %dma_wait3A_95 = arith.constant 0 : i32
      %dma_wait3A_96 = arith.constant 0 : i32
      %dma_wait3A_97 = tpu.memref_slice %arg10[%dma_wait3A_94, %dma_wait3A_95, %dma_wait3A_96] : memref<2x128x128xf32, #tpu.memory_space<vmem>> -> memref<1x128x128xf32, #tpu.memory_space<vmem>>
      %dma_wait3A_98 = tpu.memref_squeeze %dma_wait3A_97 : memref<1x128x128xf32, #tpu.memory_space<vmem>> -> memref<128x128xf32, #tpu.memory_space<vmem>>
      %dma_wait3A_99 = arith.constant 0 : i32
      %dma_wait3A_100 = arith.constant 0 : i32
      %dma_wait3A_101 = tpu.memref_slice %arg9[%dma_wait3A_99, %dma_wait3A_100] : memref<10240x128xf32, #tpu.memory_space<vmem_shared>> -> memref<10240x128xf32, #tpu.memory_space<vmem_shared>>
      tpu.wait_indirect_dma semaphore(%arg17 : memref<!tpu.dma_semaphore, #tpu.memory_space<semaphore_mem>>) src(%dma_wait3A_98 : memref<128x128xf32, #tpu.memory_space<vmem>>) dst(%dma_wait3A_101 : memref<10240x128xf32, #tpu.memory_space<vmem_shared>>)
      %mul3A_102 = arith.constant 2 : i32
      %mul3A_103 = arith.muli %scan3A_61, %mul3A_102 : i32
      %add3A_104 = arith.constant 0 : i32
      %add3A_105 = arith.addi %mul3A_103, %add3A_104 : i32
      %add3A_106 = arith.constant 2 : i32
      %add3A_107 = arith.addi %add3A_105, %add3A_106 : i32
      %lt3A = arith.constant 160 : i32
      %lt3A_108 = arith.cmpi slt, %add3A_107, %lt3A : i32
      %convert_element_type3A = arith.extui %lt3A_108 : i1 to i32
      %cond3A = arith.constant 0 : i32
      %cond3A_109 = arith.cmpi ne, %convert_element_type3A, %cond3A : i32
      scf.if %cond3A_109 {
        %mul3A_129 = arith.constant 128 : i32
        %mul3A_130 = arith.muli %add3A_107, %mul3A_129 : i32
        %add3A_131 = arith.addi %mul3A_6, %mul3A_130 : i32
        %mul3A_132 = arith.constant 327680 : i32
        %mul3A_133 = arith.muli %arg0, %mul3A_132 : i32
        %add3A_134 = arith.addi %mul3A_133, %add3A_131 : i32
        "tpu.region"() ({
          %run_scoped3A_143 = tpu.sem_alloc : memref<!tpu.dma_semaphore, #tpu.memory_space<semaphore_mem>>
          %dma_start3A_144 = tpu.memref_slice %arg3[%add3A_134] : memref<655360xi32, #tpu.memory_space<hbm>> -> memref<128xi32, #tpu.memory_space<hbm>>
          %dma_start3A_145 = tpu.memref_slice %arg3[%add3A_134] : memref<655360xi32, #tpu.memory_space<hbm>> -> memref<128xi32, #tpu.memory_space<hbm>>
          tpu.enqueue_dma source(%dma_start3A_145 : memref<128xi32, #tpu.memory_space<hbm>>) target(%arg11 : memref<128xi32, #tpu.memory_space<vmem>>) target_semaphore(%run_scoped3A_143 : memref<!tpu.dma_semaphore, #tpu.memory_space<semaphore_mem>>)
          %dma_wait3A_146 = tpu.memref_slice %arg3[%add3A_134] : memref<655360xi32, #tpu.memory_space<hbm>> -> memref<128xi32, #tpu.memory_space<hbm>>
          %dma_wait3A_147 = tpu.memref_slice %arg3[%add3A_134] : memref<655360xi32, #tpu.memory_space<hbm>> -> memref<128xi32, #tpu.memory_space<hbm>>
          tpu.wait_dma2 semaphore(%run_scoped3A_143 : memref<!tpu.dma_semaphore, #tpu.memory_space<semaphore_mem>>) src(%dma_wait3A_147 : memref<128xi32, #tpu.memory_space<hbm>>) dst(%arg11 : memref<128xi32, #tpu.memory_space<vmem>>)
          tpu.yield
        }) : () -> ()
        "tpu.region"() ({
          %run_scoped3A_143 = tpu.sem_alloc : memref<!tpu.dma_semaphore, #tpu.memory_space<semaphore_mem>>
          %dma_start3A_144 = tpu.memref_slice %arg4[%add3A_131] : memref<327680xi32, #tpu.memory_space<hbm>> -> memref<128xi32, #tpu.memory_space<hbm>>
          %dma_start3A_145 = tpu.memref_slice %arg4[%add3A_131] : memref<327680xi32, #tpu.memory_space<hbm>> -> memref<128xi32, #tpu.memory_space<hbm>>
          tpu.enqueue_dma source(%dma_start3A_145 : memref<128xi32, #tpu.memory_space<hbm>>) target(%arg13 : memref<128xi32, #tpu.memory_space<vmem>>) target_semaphore(%run_scoped3A_143 : memref<!tpu.dma_semaphore, #tpu.memory_space<semaphore_mem>>)
          %dma_wait3A_146 = tpu.memref_slice %arg4[%add3A_131] : memref<327680xi32, #tpu.memory_space<hbm>> -> memref<128xi32, #tpu.memory_space<hbm>>
          %dma_wait3A_147 = tpu.memref_slice %arg4[%add3A_131] : memref<327680xi32, #tpu.memory_space<hbm>> -> memref<128xi32, #tpu.memory_space<hbm>>
          tpu.wait_dma2 semaphore(%run_scoped3A_143 : memref<!tpu.dma_semaphore, #tpu.memory_space<semaphore_mem>>) src(%dma_wait3A_147 : memref<128xi32, #tpu.memory_space<hbm>>) dst(%arg13 : memref<128xi32, #tpu.memory_space<vmem>>)
          tpu.yield
        }) : () -> ()
        %dma_start3A_135 = arith.constant 0 : i32
        %dma_start3A_136 = arith.constant 0 : i32
        %dma_start3A_137 = arith.constant 0 : i32
        %dma_start3A_138 = tpu.memref_slice %arg10[%dma_start3A_135, %dma_start3A_136, %dma_start3A_137] : memref<2x128x128xf32, #tpu.memory_space<vmem>> -> memref<1x128x128xf32, #tpu.memory_space<vmem>>
        %dma_start3A_139 = tpu.memref_squeeze %dma_start3A_138 : memref<1x128x128xf32, #tpu.memory_space<vmem>> -> memref<128x128xf32, #tpu.memory_space<vmem>>
        %dma_start3A_140 = arith.constant 0 : i32
        %dma_start3A_141 = arith.constant 0 : i32
        %dma_start3A_142 = tpu.memref_slice %arg2[%dma_start3A_140, %dma_start3A_141] : memref<60000x128xf32, #tpu.memory_space<hbm>> -> memref<60000x128xf32, #tpu.memory_space<hbm>>
        tpu.enqueue_indirect_dma source(%dma_start3A_142 : memref<60000x128xf32, #tpu.memory_space<hbm>>) target(%dma_start3A_139 : memref<128x128xf32, #tpu.memory_space<vmem>>) offsets(%arg11 : memref<128xi32, #tpu.memory_space<vmem>>) semaphore(%arg15 : memref<!tpu.dma_semaphore, #tpu.memory_space<semaphore_mem>>)
      } else {
      }
      %dma_wait3A_110 = arith.constant 1 : i32
      %dma_wait3A_111 = arith.constant 0 : i32
      %dma_wait3A_112 = arith.constant 0 : i32
      %dma_wait3A_113 = tpu.memref_slice %arg10[%dma_wait3A_110, %dma_wait3A_111, %dma_wait3A_112] : memref<2x128x128xf32, #tpu.memory_space<vmem>> -> memref<1x128x128xf32, #tpu.memory_space<vmem>>
      %dma_wait3A_114 = tpu.memref_squeeze %dma_wait3A_113 : memref<1x128x128xf32, #tpu.memory_space<vmem>> -> memref<128x128xf32, #tpu.memory_space<vmem>>
      %dma_wait3A_115 = arith.constant 0 : i32
      %dma_wait3A_116 = arith.constant 0 : i32
      %dma_wait3A_117 = tpu.memref_slice %arg9[%dma_wait3A_115, %dma_wait3A_116] : memref<10240x128xf32, #tpu.memory_space<vmem_shared>> -> memref<10240x128xf32, #tpu.memory_space<vmem_shared>>
      tpu.wait_indirect_dma semaphore(%arg18 : memref<!tpu.dma_semaphore, #tpu.memory_space<semaphore_mem>>) src(%dma_wait3A_114 : memref<128x128xf32, #tpu.memory_space<vmem>>) dst(%dma_wait3A_117 : memref<10240x128xf32, #tpu.memory_space<vmem_shared>>)
      %mul3A_118 = arith.constant 2 : i32
      %mul3A_119 = arith.muli %scan3A_61, %mul3A_118 : i32
      %add3A_120 = arith.constant 1 : i32
      %add3A_121 = arith.addi %mul3A_119, %add3A_120 : i32
      %add3A_122 = arith.constant 2 : i32
      %add3A_123 = arith.addi %add3A_121, %add3A_122 : i32
      %lt3A_124 = arith.constant 160 : i32
      %lt3A_125 = arith.cmpi slt, %add3A_123, %lt3A_124 : i32
      %convert_element_type3A_126 = arith.extui %lt3A_125 : i1 to i32
      %cond3A_127 = arith.constant 0 : i32
      %cond3A_128 = arith.cmpi ne, %convert_element_type3A_126, %cond3A_127 : i32
      scf.if %cond3A_128 {
        %mul3A_129 = arith.constant 128 : i32
        %mul3A_130 = arith.muli %add3A_123, %mul3A_129 : i32
        %add3A_131 = arith.addi %mul3A_6, %mul3A_130 : i32
        %mul3A_132 = arith.constant 327680 : i32
        %mul3A_133 = arith.muli %arg0, %mul3A_132 : i32
        %add3A_134 = arith.addi %mul3A_133, %add3A_131 : i32
        "tpu.region"() ({
          %run_scoped3A_143 = tpu.sem_alloc : memref<!tpu.dma_semaphore, #tpu.memory_space<semaphore_mem>>
          %dma_start3A_144 = tpu.memref_slice %arg3[%add3A_134] : memref<655360xi32, #tpu.memory_space<hbm>> -> memref<128xi32, #tpu.memory_space<hbm>>
          %dma_start3A_145 = tpu.memref_slice %arg3[%add3A_134] : memref<655360xi32, #tpu.memory_space<hbm>> -> memref<128xi32, #tpu.memory_space<hbm>>
          tpu.enqueue_dma source(%dma_start3A_145 : memref<128xi32, #tpu.memory_space<hbm>>) target(%arg12 : memref<128xi32, #tpu.memory_space<vmem>>) target_semaphore(%run_scoped3A_143 : memref<!tpu.dma_semaphore, #tpu.memory_space<semaphore_mem>>)
          %dma_wait3A_146 = tpu.memref_slice %arg3[%add3A_134] : memref<655360xi32, #tpu.memory_space<hbm>> -> memref<128xi32, #tpu.memory_space<hbm>>
          %dma_wait3A_147 = tpu.memref_slice %arg3[%add3A_134] : memref<655360xi32, #tpu.memory_space<hbm>> -> memref<128xi32, #tpu.memory_space<hbm>>
          tpu.wait_dma2 semaphore(%run_scoped3A_143 : memref<!tpu.dma_semaphore, #tpu.memory_space<semaphore_mem>>) src(%dma_wait3A_147 : memref<128xi32, #tpu.memory_space<hbm>>) dst(%arg12 : memref<128xi32, #tpu.memory_space<vmem>>)
          tpu.yield
        }) : () -> ()
        "tpu.region"() ({
          %run_scoped3A_143 = tpu.sem_alloc : memref<!tpu.dma_semaphore, #tpu.memory_space<semaphore_mem>>
          %dma_start3A_144 = tpu.memref_slice %arg4[%add3A_131] : memref<327680xi32, #tpu.memory_space<hbm>> -> memref<128xi32, #tpu.memory_space<hbm>>
          %dma_start3A_145 = tpu.memref_slice %arg4[%add3A_131] : memref<327680xi32, #tpu.memory_space<hbm>> -> memref<128xi32, #tpu.memory_space<hbm>>
          tpu.enqueue_dma source(%dma_start3A_145 : memref<128xi32, #tpu.memory_space<hbm>>) target(%arg14 : memref<128xi32, #tpu.memory_space<vmem>>) target_semaphore(%run_scoped3A_143 : memref<!tpu.dma_semaphore, #tpu.memory_space<semaphore_mem>>)
          %dma_wait3A_146 = tpu.memref_slice %arg4[%add3A_131] : memref<327680xi32, #tpu.memory_space<hbm>> -> memref<128xi32, #tpu.memory_space<hbm>>
          %dma_wait3A_147 = tpu.memref_slice %arg4[%add3A_131] : memref<327680xi32, #tpu.memory_space<hbm>> -> memref<128xi32, #tpu.memory_space<hbm>>
          tpu.wait_dma2 semaphore(%run_scoped3A_143 : memref<!tpu.dma_semaphore, #tpu.memory_space<semaphore_mem>>) src(%dma_wait3A_147 : memref<128xi32, #tpu.memory_space<hbm>>) dst(%arg14 : memref<128xi32, #tpu.memory_space<vmem>>)
          tpu.yield
        }) : () -> ()
        %dma_start3A_135 = arith.constant 1 : i32
        %dma_start3A_136 = arith.constant 0 : i32
        %dma_start3A_137 = arith.constant 0 : i32
        %dma_start3A_138 = tpu.memref_slice %arg10[%dma_start3A_135, %dma_start3A_136, %dma_start3A_137] : memref<2x128x128xf32, #tpu.memory_space<vmem>> -> memref<1x128x128xf32, #tpu.memory_space<vmem>>
        %dma_start3A_139 = tpu.memref_squeeze %dma_start3A_138 : memref<1x128x128xf32, #tpu.memory_space<vmem>> -> memref<128x128xf32, #tpu.memory_space<vmem>>
        %dma_start3A_140 = arith.constant 0 : i32
        %dma_start3A_141 = arith.constant 0 : i32
        %dma_start3A_142 = tpu.memref_slice %arg2[%dma_start3A_140, %dma_start3A_141] : memref<60000x128xf32, #tpu.memory_space<hbm>> -> memref<60000x128xf32, #tpu.memory_space<hbm>>
        tpu.enqueue_indirect_dma source(%dma_start3A_142 : memref<60000x128xf32, #tpu.memory_space<hbm>>) target(%dma_start3A_139 : memref<128x128xf32, #tpu.memory_space<vmem>>) offsets(%arg12 : memref<128xi32, #tpu.memory_space<vmem>>) semaphore(%arg16 : memref<!tpu.dma_semaphore, #tpu.memory_space<semaphore_mem>>)
      } else {
      }
    }
    %scan3A_36 = arith.constant 80 : i32
    %barrier3A_37 = arith.constant 0 : index
    tpu.barrier barrier_id(%barrier3A_37)
    "tpu.region"() ({
      %run_scoped3A_61 = tpu.sem_alloc : memref<!tpu.dma_semaphore, #tpu.memory_space<semaphore_mem>>
      %dma_start3A_62 = arith.constant 0 : i32
      %dma_start3A_63 = tpu.memref_slice %arg7[%add3A, %dma_start3A_62] : memref<20480x128xf32, #tpu.memory_space<hbm>> -> memref<640x128xf32, #tpu.memory_space<hbm>>
      %dma_start3A_64 = arith.constant 0 : i32
      %dma_start3A_65 = tpu.memref_slice %arg9[%mul3A_0, %dma_start3A_64] : memref<10240x128xf32, #tpu.memory_space<vmem_shared>> -> memref<640x128xf32, #tpu.memory_space<vmem_shared>>
      tpu.enqueue_dma source(%dma_start3A_65 : memref<640x128xf32, #tpu.memory_space<vmem_shared>>) target(%dma_start3A_63 : memref<640x128xf32, #tpu.memory_space<hbm>>) target_semaphore(%run_scoped3A_61 : memref<!tpu.dma_semaphore, #tpu.memory_space<semaphore_mem>>)
      %dma_wait3A_66 = arith.constant 0 : i32
      %dma_wait3A_67 = tpu.memref_slice %arg7[%add3A, %dma_wait3A_66] : memref<20480x128xf32, #tpu.memory_space<hbm>> -> memref<640x128xf32, #tpu.memory_space<hbm>>
      %dma_wait3A_68 = arith.constant 0 : i32
      %dma_wait3A_69 = tpu.memref_slice %arg9[%mul3A_0, %dma_wait3A_68] : memref<10240x128xf32, #tpu.memory_space<vmem_shared>> -> memref<640x128xf32, #tpu.memory_space<vmem_shared>>
      tpu.wait_dma2 semaphore(%run_scoped3A_61 : memref<!tpu.dma_semaphore, #tpu.memory_space<semaphore_mem>>) src(%dma_wait3A_69 : memref<640x128xf32, #tpu.memory_space<vmem_shared>>) dst(%dma_wait3A_67 : memref<640x128xf32, #tpu.memory_space<hbm>>)
      tpu.yield
    }) : () -> ()
    "tpu.region"() ({
      %run_scoped3A_61 = tpu.sem_alloc : memref<!tpu.dma_semaphore, #tpu.memory_space<semaphore_mem>>
      %dma_start3A_62 = arith.constant 0 : i32
      %dma_start3A_63 = tpu.memref_slice %arg9[%mul3A_0, %dma_start3A_62] : memref<10240x128xf32, #tpu.memory_space<vmem_shared>> -> memref<640x128xf32, #tpu.memory_space<vmem_shared>>
      tpu.enqueue_dma source(%arg5 : memref<640x128xf32, #tpu.memory_space<hbm>>) target(%dma_start3A_63 : memref<640x128xf32, #tpu.memory_space<vmem_shared>>) target_semaphore(%run_scoped3A_61 : memref<!tpu.dma_semaphore, #tpu.memory_space<semaphore_mem>>)
      %dma_wait3A_64 = arith.constant 0 : i32
      %dma_wait3A_65 = tpu.memref_slice %arg9[%mul3A_0, %dma_wait3A_64] : memref<10240x128xf32, #tpu.memory_space<vmem_shared>> -> memref<640x128xf32, #tpu.memory_space<vmem_shared>>
      tpu.wait_dma2 semaphore(%run_scoped3A_61 : memref<!tpu.dma_semaphore, #tpu.memory_space<semaphore_mem>>) src(%arg5 : memref<640x128xf32, #tpu.memory_space<hbm>>) dst(%dma_wait3A_65 : memref<640x128xf32, #tpu.memory_space<vmem_shared>>)
      tpu.yield
    }) : () -> ()
    %run_scoped3A = arith.constant 0 : i32
    "tpu.region"() ({
      %run_scoped3A_61 = tpu.sem_alloc : memref<!tpu.dma_semaphore, #tpu.memory_space<semaphore_mem>>
      %dma_start3A_62 = arith.constant 0 : i32
      %dma_start3A_63 = arith.constant 0 : i32
      %dma_start3A_64 = tpu.memref_slice %arg10[%run_scoped3A, %dma_start3A_62, %dma_start3A_63] : memref<2x128x128xf32, #tpu.memory_space<vmem>> -> memref<1x128x128xf32, #tpu.memory_space<vmem>>
      %dma_start3A_65 = tpu.memref_squeeze %dma_start3A_64 : memref<1x128x128xf32, #tpu.memory_space<vmem>> -> memref<128x128xf32, #tpu.memory_space<vmem>>
      %dma_start3A_66 = arith.constant 0 : i32
      %dma_start3A_67 = arith.constant 0 : i32
      %dma_start3A_68 = tpu.memref_slice %arg10[%run_scoped3A, %dma_start3A_66, %dma_start3A_67] : memref<2x128x128xf32, #tpu.memory_space<vmem>> -> memref<1x128x128xf32, #tpu.memory_space<vmem>>
      %dma_start3A_69 = tpu.memref_squeeze %dma_start3A_68 : memref<1x128x128xf32, #tpu.memory_space<vmem>> -> memref<128x128xf32, #tpu.memory_space<vmem>>
      tpu.enqueue_dma source(%arg6 : memref<128x128xf32, #tpu.memory_space<hbm>>) target(%dma_start3A_69 : memref<128x128xf32, #tpu.memory_space<vmem>>) target_semaphore(%run_scoped3A_61 : memref<!tpu.dma_semaphore, #tpu.memory_space<semaphore_mem>>)
      %dma_wait3A_70 = arith.constant 0 : i32
      %dma_wait3A_71 = arith.constant 0 : i32
      %dma_wait3A_72 = tpu.memref_slice %arg10[%run_scoped3A, %dma_wait3A_70, %dma_wait3A_71] : memref<2x128x128xf32, #tpu.memory_space<vmem>> -> memref<1x128x128xf32, #tpu.memory_space<vmem>>
      %dma_wait3A_73 = tpu.memref_squeeze %dma_wait3A_72 : memref<1x128x128xf32, #tpu.memory_space<vmem>> -> memref<128x128xf32, #tpu.memory_space<vmem>>
      %dma_wait3A_74 = arith.constant 0 : i32
      %dma_wait3A_75 = arith.constant 0 : i32
      %dma_wait3A_76 = tpu.memref_slice %arg10[%run_scoped3A, %dma_wait3A_74, %dma_wait3A_75] : memref<2x128x128xf32, #tpu.memory_space<vmem>> -> memref<1x128x128xf32, #tpu.memory_space<vmem>>
      %dma_wait3A_77 = tpu.memref_squeeze %dma_wait3A_76 : memref<1x128x128xf32, #tpu.memory_space<vmem>> -> memref<128x128xf32, #tpu.memory_space<vmem>>
      tpu.wait_dma2 semaphore(%run_scoped3A_61 : memref<!tpu.dma_semaphore, #tpu.memory_space<semaphore_mem>>) src(%arg6 : memref<128x128xf32, #tpu.memory_space<hbm>>) dst(%dma_wait3A_77 : memref<128x128xf32, #tpu.memory_space<vmem>>)
      tpu.yield
    }) : () -> ()
    %barrier3A_38 = arith.constant 0 : index
    tpu.barrier barrier_id(%barrier3A_38)
    %mul3A_39 = arith.constant 163840 : i32
    %mul3A_40 = arith.muli %arg0, %mul3A_39 : i32
    %mul3A_41 = arith.constant 10240 : i32
    %mul3A_42 = arith.muli %arg1, %mul3A_41 : i32
    %add3A_43 = arith.addi %mul3A_40, %mul3A_42 : i32
    %add3A_44 = arith.constant 0 : i32
    %add3A_45 = arith.addi %add3A_43, %add3A_44 : i32
    "tpu.region"() ({
      %run_scoped3A_61 = tpu.sem_alloc : memref<!tpu.dma_semaphore, #tpu.memory_space<semaphore_mem>>
      %dma_start3A_62 = tpu.memref_slice %arg4[%add3A_45] : memref<327680xi32, #tpu.memory_space<hbm>> -> memref<128xi32, #tpu.memory_space<hbm>>
      %dma_start3A_63 = tpu.memref_slice %arg4[%add3A_45] : memref<327680xi32, #tpu.memory_space<hbm>> -> memref<128xi32, #tpu.memory_space<hbm>>
      tpu.enqueue_dma source(%dma_start3A_63 : memref<128xi32, #tpu.memory_space<hbm>>) target(%arg13 : memref<128xi32, #tpu.memory_space<vmem>>) target_semaphore(%run_scoped3A_61 : memref<!tpu.dma_semaphore, #tpu.memory_space<semaphore_mem>>)
      %dma_wait3A_64 = tpu.memref_slice %arg4[%add3A_45] : memref<327680xi32, #tpu.memory_space<hbm>> -> memref<128xi32, #tpu.memory_space<hbm>>
      %dma_wait3A_65 = tpu.memref_slice %arg4[%add3A_45] : memref<327680xi32, #tpu.memory_space<hbm>> -> memref<128xi32, #tpu.memory_space<hbm>>
      tpu.wait_dma2 semaphore(%run_scoped3A_61 : memref<!tpu.dma_semaphore, #tpu.memory_space<semaphore_mem>>) src(%dma_wait3A_65 : memref<128xi32, #tpu.memory_space<hbm>>) dst(%arg13 : memref<128xi32, #tpu.memory_space<vmem>>)
      tpu.yield
    }) : () -> ()
    %scan3A_46 = arith.constant 0 : i32
    %scan3A_47 = arith.constant 0 : i32
    %scan3A_48 = arith.constant 0 : i32
    %scan3A_49 = arith.constant 40 : i32
    %scan3A_50 = arith.addi %scan3A_48, %scan3A_49 : i32
    %scan3A_51 = arith.constant 1 : i32
    scf.for %scan3A_61 = %scan3A_48 to %scan3A_50 step %scan3A_51  : i32 {
      %dma_start3A_62 = arith.constant 0 : i32
      %dma_start3A_63 = arith.constant 0 : i32
      %dma_start3A_64 = tpu.memref_slice %arg10[%scan3A_47, %dma_start3A_62, %dma_start3A_63] : memref<2x128x128xf32, #tpu.memory_space<vmem>> -> memref<1x128x128xf32, #tpu.memory_space<vmem>>
      %dma_start3A_65 = tpu.memref_squeeze %dma_start3A_64 : memref<1x128x128xf32, #tpu.memory_space<vmem>> -> memref<128x128xf32, #tpu.memory_space<vmem>>
      %dma_start3A_66 = arith.constant 0 : i32
      %dma_start3A_67 = arith.constant 0 : i32
      %dma_start3A_68 = tpu.memref_slice %arg9[%dma_start3A_66, %dma_start3A_67] : memref<10240x128xf32, #tpu.memory_space<vmem_shared>> -> memref<10240x128xf32, #tpu.memory_space<vmem_shared>>
      tpu.enqueue_indirect_dma source(%dma_start3A_65 : memref<128x128xf32, #tpu.memory_space<vmem>>) target(%dma_start3A_68 : memref<10240x128xf32, #tpu.memory_space<vmem_shared>>) offsets(%arg13 : memref<128xi32, #tpu.memory_space<vmem>>) semaphore(%arg17 : memref<!tpu.dma_semaphore, #tpu.memory_space<semaphore_mem>>) {add = true}
      %gt3A = arith.constant 0 : i32
      %gt3A_69 = arith.cmpi sgt, %scan3A_61, %gt3A : i32
      %convert_element_type3A = arith.extui %gt3A_69 : i1 to i32
      %cond3A = arith.constant 0 : i32
      %cond3A_70 = arith.cmpi ne, %convert_element_type3A, %cond3A : i32
      scf.if %cond3A_70 {
        %dma_wait3A_98 = arith.constant 0 : i32
        %dma_wait3A_99 = arith.constant 0 : i32
        %dma_wait3A_100 = tpu.memref_slice %arg10[%scan3A_47, %dma_wait3A_98, %dma_wait3A_99] : memref<2x128x128xf32, #tpu.memory_space<vmem>> -> memref<1x128x128xf32, #tpu.memory_space<vmem>>
        %dma_wait3A_101 = tpu.memref_squeeze %dma_wait3A_100 : memref<1x128x128xf32, #tpu.memory_space<vmem>> -> memref<128x128xf32, #tpu.memory_space<vmem>>
        %dma_wait3A_102 = arith.constant 0 : i32
        %dma_wait3A_103 = arith.constant 0 : i32
        %dma_wait3A_104 = tpu.memref_slice %arg9[%dma_wait3A_102, %dma_wait3A_103] : memref<10240x128xf32, #tpu.memory_space<vmem_shared>> -> memref<10240x128xf32, #tpu.memory_space<vmem_shared>>
        tpu.wait_indirect_dma semaphore(%arg18 : memref<!tpu.dma_semaphore, #tpu.memory_space<semaphore_mem>>) src(%dma_wait3A_101 : memref<128x128xf32, #tpu.memory_space<vmem>>) dst(%dma_wait3A_104 : memref<10240x128xf32, #tpu.memory_space<vmem_shared>>)
      } else {
      }
      %mul3A_71 = arith.constant 2 : i32
      %mul3A_72 = arith.muli %mul3A_71, %scan3A_61 : i32
      %add3A_73 = arith.constant 1 : i32
      %add3A_74 = arith.addi %mul3A_72, %add3A_73 : i32
      %mul3A_75 = arith.constant 128 : i32
      %mul3A_76 = arith.muli %add3A_74, %mul3A_75 : i32
      %add3A_77 = arith.addi %add3A_43, %mul3A_76 : i32
      "tpu.region"() ({
        %run_scoped3A_98 = tpu.sem_alloc : memref<!tpu.dma_semaphore, #tpu.memory_space<semaphore_mem>>
        %dma_start3A_99 = tpu.memref_slice %arg4[%add3A_77] : memref<327680xi32, #tpu.memory_space<hbm>> -> memref<128xi32, #tpu.memory_space<hbm>>
        %dma_start3A_100 = tpu.memref_slice %arg4[%add3A_77] : memref<327680xi32, #tpu.memory_space<hbm>> -> memref<128xi32, #tpu.memory_space<hbm>>
        tpu.enqueue_dma source(%dma_start3A_100 : memref<128xi32, #tpu.memory_space<hbm>>) target(%arg14 : memref<128xi32, #tpu.memory_space<vmem>>) target_semaphore(%run_scoped3A_98 : memref<!tpu.dma_semaphore, #tpu.memory_space<semaphore_mem>>)
        %dma_wait3A_101 = tpu.memref_slice %arg4[%add3A_77] : memref<327680xi32, #tpu.memory_space<hbm>> -> memref<128xi32, #tpu.memory_space<hbm>>
        %dma_wait3A_102 = tpu.memref_slice %arg4[%add3A_77] : memref<327680xi32, #tpu.memory_space<hbm>> -> memref<128xi32, #tpu.memory_space<hbm>>
        tpu.wait_dma2 semaphore(%run_scoped3A_98 : memref<!tpu.dma_semaphore, #tpu.memory_space<semaphore_mem>>) src(%dma_wait3A_102 : memref<128xi32, #tpu.memory_space<hbm>>) dst(%arg14 : memref<128xi32, #tpu.memory_space<vmem>>)
        tpu.yield
      }) : () -> ()
      %dma_start3A_78 = arith.constant 0 : i32
      %dma_start3A_79 = arith.constant 0 : i32
      %dma_start3A_80 = tpu.memref_slice %arg10[%scan3A_47, %dma_start3A_78, %dma_start3A_79] : memref<2x128x128xf32, #tpu.memory_space<vmem>> -> memref<1x128x128xf32, #tpu.memory_space<vmem>>
      %dma_start3A_81 = tpu.memref_squeeze %dma_start3A_80 : memref<1x128x128xf32, #tpu.memory_space<vmem>> -> memref<128x128xf32, #tpu.memory_space<vmem>>
      %dma_start3A_82 = arith.constant 0 : i32
      %dma_start3A_83 = arith.constant 0 : i32
      %dma_start3A_84 = tpu.memref_slice %arg9[%dma_start3A_82, %dma_start3A_83] : memref<10240x128xf32, #tpu.memory_space<vmem_shared>> -> memref<10240x128xf32, #tpu.memory_space<vmem_shared>>
      tpu.enqueue_indirect_dma source(%dma_start3A_81 : memref<128x128xf32, #tpu.memory_space<vmem>>) target(%dma_start3A_84 : memref<10240x128xf32, #tpu.memory_space<vmem_shared>>) offsets(%arg14 : memref<128xi32, #tpu.memory_space<vmem>>) semaphore(%arg18 : memref<!tpu.dma_semaphore, #tpu.memory_space<semaphore_mem>>) {add = true}
      %dma_wait3A_85 = arith.constant 0 : i32
      %dma_wait3A_86 = arith.constant 0 : i32
      %dma_wait3A_87 = tpu.memref_slice %arg10[%scan3A_47, %dma_wait3A_85, %dma_wait3A_86] : memref<2x128x128xf32, #tpu.memory_space<vmem>> -> memref<1x128x128xf32, #tpu.memory_space<vmem>>
      %dma_wait3A_88 = tpu.memref_squeeze %dma_wait3A_87 : memref<1x128x128xf32, #tpu.memory_space<vmem>> -> memref<128x128xf32, #tpu.memory_space<vmem>>
      %dma_wait3A_89 = arith.constant 0 : i32
      %dma_wait3A_90 = arith.constant 0 : i32
      %dma_wait3A_91 = tpu.memref_slice %arg9[%dma_wait3A_89, %dma_wait3A_90] : memref<10240x128xf32, #tpu.memory_space<vmem_shared>> -> memref<10240x128xf32, #tpu.memory_space<vmem_shared>>
      tpu.wait_indirect_dma semaphore(%arg17 : memref<!tpu.dma_semaphore, #tpu.memory_space<semaphore_mem>>) src(%dma_wait3A_88 : memref<128x128xf32, #tpu.memory_space<vmem>>) dst(%dma_wait3A_91 : memref<10240x128xf32, #tpu.memory_space<vmem_shared>>)
      %add3A_92 = arith.constant 1 : i32
      %add3A_93 = arith.addi %scan3A_61, %add3A_92 : i32
      %lt3A = arith.constant 40 : i32
      %lt3A_94 = arith.cmpi slt, %add3A_93, %lt3A : i32
      %convert_element_type3A_95 = arith.extui %lt3A_94 : i1 to i32
      %cond3A_96 = arith.constant 0 : i32
      %cond3A_97 = arith.cmpi ne, %convert_element_type3A_95, %cond3A_96 : i32
      scf.if %cond3A_97 {
        %mul3A_98 = arith.constant 2 : i32
        %mul3A_99 = arith.muli %mul3A_98, %scan3A_61 : i32
        %add3A_100 = arith.constant 2 : i32
        %add3A_101 = arith.addi %mul3A_99, %add3A_100 : i32
        %mul3A_102 = arith.constant 128 : i32
        %mul3A_103 = arith.muli %add3A_101, %mul3A_102 : i32
        %add3A_104 = arith.addi %add3A_43, %mul3A_103 : i32
        "tpu.region"() ({
          %run_scoped3A_105 = tpu.sem_alloc : memref<!tpu.dma_semaphore, #tpu.memory_space<semaphore_mem>>
          %dma_start3A_106 = tpu.memref_slice %arg4[%add3A_104] : memref<327680xi32, #tpu.memory_space<hbm>> -> memref<128xi32, #tpu.memory_space<hbm>>
          %dma_start3A_107 = tpu.memref_slice %arg4[%add3A_104] : memref<327680xi32, #tpu.memory_space<hbm>> -> memref<128xi32, #tpu.memory_space<hbm>>
          tpu.enqueue_dma source(%dma_start3A_107 : memref<128xi32, #tpu.memory_space<hbm>>) target(%arg13 : memref<128xi32, #tpu.memory_space<vmem>>) target_semaphore(%run_scoped3A_105 : memref<!tpu.dma_semaphore, #tpu.memory_space<semaphore_mem>>)
          %dma_wait3A_108 = tpu.memref_slice %arg4[%add3A_104] : memref<327680xi32, #tpu.memory_space<hbm>> -> memref<128xi32, #tpu.memory_space<hbm>>
          %dma_wait3A_109 = tpu.memref_slice %arg4[%add3A_104] : memref<327680xi32, #tpu.memory_space<hbm>> -> memref<128xi32, #tpu.memory_space<hbm>>
          tpu.wait_dma2 semaphore(%run_scoped3A_105 : memref<!tpu.dma_semaphore, #tpu.memory_space<semaphore_mem>>) src(%dma_wait3A_109 : memref<128xi32, #tpu.memory_space<hbm>>) dst(%arg13 : memref<128xi32, #tpu.memory_space<vmem>>)
          tpu.yield
        }) : () -> ()
      } else {
      }
    }
    %scan3A_52 = arith.constant 40 : i32
    %dma_wait3A = arith.constant 0 : i32
    %dma_wait3A_53 = arith.constant 0 : i32
    %dma_wait3A_54 = arith.constant 0 : i32
    %dma_wait3A_55 = tpu.memref_slice %arg10[%dma_wait3A, %dma_wait3A_53, %dma_wait3A_54] : memref<2x128x128xf32, #tpu.memory_space<vmem>> -> memref<1x128x128xf32, #tpu.memory_space<vmem>>
    %dma_wait3A_56 = tpu.memref_squeeze %dma_wait3A_55 : memref<1x128x128xf32, #tpu.memory_space<vmem>> -> memref<128x128xf32, #tpu.memory_space<vmem>>
    %dma_wait3A_57 = arith.constant 0 : i32
    %dma_wait3A_58 = arith.constant 0 : i32
    %dma_wait3A_59 = tpu.memref_slice %arg9[%dma_wait3A_57, %dma_wait3A_58] : memref<10240x128xf32, #tpu.memory_space<vmem_shared>> -> memref<10240x128xf32, #tpu.memory_space<vmem_shared>>
    tpu.wait_indirect_dma semaphore(%arg18 : memref<!tpu.dma_semaphore, #tpu.memory_space<semaphore_mem>>) src(%dma_wait3A_56 : memref<128x128xf32, #tpu.memory_space<vmem>>) dst(%dma_wait3A_59 : memref<10240x128xf32, #tpu.memory_space<vmem_shared>>)
    %barrier3A_60 = arith.constant 0 : index
    tpu.barrier barrier_id(%barrier3A_60)
    "tpu.region"() ({
      %run_scoped3A_61 = tpu.sem_alloc : memref<!tpu.dma_semaphore, #tpu.memory_space<semaphore_mem>>
      %dma_start3A_62 = arith.constant 0 : i32
      %dma_start3A_63 = tpu.memref_slice %arg8[%add3A, %dma_start3A_62] : memref<20480x128xf32, #tpu.memory_space<hbm>> -> memref<640x128xf32, #tpu.memory_space<hbm>>
      %dma_start3A_64 = arith.constant 0 : i32
      %dma_start3A_65 = tpu.memref_slice %arg9[%mul3A_0, %dma_start3A_64] : memref<10240x128xf32, #tpu.memory_space<vmem_shared>> -> memref<640x128xf32, #tpu.memory_space<vmem_shared>>
      tpu.enqueue_dma source(%dma_start3A_65 : memref<640x128xf32, #tpu.memory_space<vmem_shared>>) target(%dma_start3A_63 : memref<640x128xf32, #tpu.memory_space<hbm>>) target_semaphore(%run_scoped3A_61 : memref<!tpu.dma_semaphore, #tpu.memory_space<semaphore_mem>>)
      %dma_wait3A_66 = arith.constant 0 : i32
      %dma_wait3A_67 = tpu.memref_slice %arg8[%add3A, %dma_wait3A_66] : memref<20480x128xf32, #tpu.memory_space<hbm>> -> memref<640x128xf32, #tpu.memory_space<hbm>>
      %dma_wait3A_68 = arith.constant 0 : i32
      %dma_wait3A_69 = tpu.memref_slice %arg9[%mul3A_0, %dma_wait3A_68] : memref<10240x128xf32, #tpu.memory_space<vmem_shared>> -> memref<640x128xf32, #tpu.memory_space<vmem_shared>>
      tpu.wait_dma2 semaphore(%run_scoped3A_61 : memref<!tpu.dma_semaphore, #tpu.memory_space<semaphore_mem>>) src(%dma_wait3A_69 : memref<640x128xf32, #tpu.memory_space<vmem_shared>>) dst(%dma_wait3A_67 : memref<640x128xf32, #tpu.memory_space<hbm>>)
      tpu.yield
    }) : () -> ()
    return
  }
}

module attributes {stable_mosaic.version = 14 : i64} {
  func.func @body(%arg0: i32, %arg1: memref<1000x128xf32, #tpu.memory_space<vmem>>, %arg2: memref<3x128x128xf32, #tpu.memory_space<vmem>>, %arg3: memref<3x128x128xf32, #tpu.memory_space<vmem>>, %arg4: memref<2x3x1000x128xf32, #tpu.memory_space<vmem>>) attributes {dimension_semantics = [#tpu.dimension_semantics<arbitrary>], iteration_bounds = array<i64: 10>, scalar_prefetch = 0 : i64, scratch_operands = 0 : i64, tpu.core_type = #tpu.core_type<tc>, window_params = [{transform_indices = @transform_0, window_bounds = array<i64: 1000, 128>}, {pipeline_mode = #tpu.pipeline_mode<synchronous>, transform_indices = @transform_1, window_bounds = array<i64: 3, 128, 128>}, {pipeline_mode = #tpu.pipeline_mode<synchronous>, transform_indices = @transform_2, window_bounds = array<i64: 3, 128, 128>}, {transform_indices = @transform_3, window_bounds = array<i64: 2, 3, 1000, 128>}]} {
    %get3A = arith.constant 0 : index
    %get3A_0 = arith.constant 0 : index
    %get3A_1 = vector.load %arg1[%get3A, %get3A_0] : memref<1000x128xf32, #tpu.memory_space<vmem>>, vector<1000x128xf32>
    %get3A_2 = arith.constant 0 : index
    %get3A_3 = arith.constant 0 : index
    %get3A_4 = arith.constant 0 : index
    %get3A_5 = vector.load %arg2[%get3A_2, %get3A_3, %get3A_4] : memref<3x128x128xf32, #tpu.memory_space<vmem>>, vector<3x128x128xf32>
    %get3A_6 = arith.constant 0 : index
    %get3A_7 = arith.constant 0 : index
    %get3A_8 = arith.constant 0 : index
    %get3A_9 = vector.load %arg3[%get3A_6, %get3A_7, %get3A_8] : memref<3x128x128xf32, #tpu.memory_space<vmem>>, vector<3x128x128xf32>
    %slice3A = vector.extract_strided_slice %get3A_5 {offsets = [0, 0, 0], sizes = [1, 128, 128], strides = [1, 1, 1]} : vector<3x128x128xf32> to vector<1x128x128xf32>
    %squeeze3A = vector.shape_cast %slice3A : vector<1x128x128xf32> to vector<128x128xf32>
    %dot_general3A = arith.constant dense<0.000000e+00> : vector<1000x128xf32>
    %dot_general3A_10 = tpu.matmul %get3A_1, %squeeze3A, %dot_general3A {dimension_numbers = #tpu.dot_dimension_numbers<[1], [0], [0], [1], [0, 0, 1, 1], [], []>, transpose_lhs_hint = false} : vector<1000x128xf32>, vector<128x128xf32>, vector<1000x128xf32> -> vector<1000x128xf32>
    %swap3A = arith.constant 0 : index
    %swap3A_11 = arith.constant 0 : index
    %swap3A_12 = arith.constant 0 : index
    %swap3A_13 = arith.constant 0 : index
    %swap3A_14 = vector.load %arg4[%swap3A, %swap3A_11, %swap3A_12, %swap3A_13] : memref<2x3x1000x128xf32, #tpu.memory_space<vmem>>, vector<1x1x1000x128xf32>
    %swap3A_15 = vector.shape_cast %swap3A_14 : vector<1x1x1000x128xf32> to vector<1000x128xf32>
    %swap3A_16 = vector.shape_cast %dot_general3A_10 : vector<1000x128xf32> to vector<1x1x1000x128xf32>
    tpu.vector_store %arg4[%swap3A, %swap3A_11, %swap3A_12, %swap3A_13], %swap3A_16 {strides = array<i32>} : memref<2x3x1000x128xf32, #tpu.memory_space<vmem>>, vector<1x1x1000x128xf32>,
    %slice3A_17 = vector.extract_strided_slice %get3A_9 {offsets = [0, 0, 0], sizes = [1, 128, 128], strides = [1, 1, 1]} : vector<3x128x128xf32> to vector<1x128x128xf32>
    %squeeze3A_18 = vector.shape_cast %slice3A_17 : vector<1x128x128xf32> to vector<128x128xf32>
    %dot_general3A_19 = arith.constant dense<0.000000e+00> : vector<1000x128xf32>
    %dot_general3A_20 = tpu.matmul %get3A_1, %squeeze3A_18, %dot_general3A_19 {dimension_numbers = #tpu.dot_dimension_numbers<[1], [0], [0], [1], [0, 0, 1, 1], [], []>, transpose_lhs_hint = false} : vector<1000x128xf32>, vector<128x128xf32>, vector<1000x128xf32> -> vector<1000x128xf32>
    %swap3A_21 = arith.constant 1 : index
    %swap3A_22 = arith.constant 0 : index
    %swap3A_23 = arith.constant 0 : index
    %swap3A_24 = arith.constant 0 : index
    %swap3A_25 = vector.load %arg4[%swap3A_21, %swap3A_22, %swap3A_23, %swap3A_24] : memref<2x3x1000x128xf32, #tpu.memory_space<vmem>>, vector<1x1x1000x128xf32>
    %swap3A_26 = vector.shape_cast %swap3A_25 : vector<1x1x1000x128xf32> to vector<1000x128xf32>
    %swap3A_27 = vector.shape_cast %dot_general3A_20 : vector<1000x128xf32> to vector<1x1x1000x128xf32>
    tpu.vector_store %arg4[%swap3A_21, %swap3A_22, %swap3A_23, %swap3A_24], %swap3A_27 {strides = array<i32>} : memref<2x3x1000x128xf32, #tpu.memory_space<vmem>>, vector<1x1x1000x128xf32>,
    %slice3A_28 = vector.extract_strided_slice %get3A_5 {offsets = [1, 0, 0], sizes = [1, 128, 128], strides = [1, 1, 1]} : vector<3x128x128xf32> to vector<1x128x128xf32>
    %squeeze3A_29 = vector.shape_cast %slice3A_28 : vector<1x128x128xf32> to vector<128x128xf32>
    %dot_general3A_30 = arith.constant dense<0.000000e+00> : vector<1000x128xf32>
    %dot_general3A_31 = tpu.matmul %get3A_1, %squeeze3A_29, %dot_general3A_30 {dimension_numbers = #tpu.dot_dimension_numbers<[1], [0], [0], [1], [0, 0, 1, 1], [], []>, transpose_lhs_hint = false} : vector<1000x128xf32>, vector<128x128xf32>, vector<1000x128xf32> -> vector<1000x128xf32>
    %swap3A_32 = arith.constant 0 : index
    %swap3A_33 = arith.constant 1 : index
    %swap3A_34 = arith.constant 0 : index
    %swap3A_35 = arith.constant 0 : index
    %swap3A_36 = vector.load %arg4[%swap3A_32, %swap3A_33, %swap3A_34, %swap3A_35] : memref<2x3x1000x128xf32, #tpu.memory_space<vmem>>, vector<1x1x1000x128xf32>
    %swap3A_37 = vector.shape_cast %swap3A_36 : vector<1x1x1000x128xf32> to vector<1000x128xf32>
    %swap3A_38 = vector.shape_cast %dot_general3A_31 : vector<1000x128xf32> to vector<1x1x1000x128xf32>
    tpu.vector_store %arg4[%swap3A_32, %swap3A_33, %swap3A_34, %swap3A_35], %swap3A_38 {strides = array<i32>} : memref<2x3x1000x128xf32, #tpu.memory_space<vmem>>, vector<1x1x1000x128xf32>,
    %slice3A_39 = vector.extract_strided_slice %get3A_9 {offsets = [1, 0, 0], sizes = [1, 128, 128], strides = [1, 1, 1]} : vector<3x128x128xf32> to vector<1x128x128xf32>
    %squeeze3A_40 = vector.shape_cast %slice3A_39 : vector<1x128x128xf32> to vector<128x128xf32>
    %dot_general3A_41 = arith.constant dense<0.000000e+00> : vector<1000x128xf32>
    %dot_general3A_42 = tpu.matmul %get3A_1, %squeeze3A_40, %dot_general3A_41 {dimension_numbers = #tpu.dot_dimension_numbers<[1], [0], [0], [1], [0, 0, 1, 1], [], []>, transpose_lhs_hint = false} : vector<1000x128xf32>, vector<128x128xf32>, vector<1000x128xf32> -> vector<1000x128xf32>
    %swap3A_43 = arith.constant 1 : index
    %swap3A_44 = arith.constant 1 : index
    %swap3A_45 = arith.constant 0 : index
    %swap3A_46 = arith.constant 0 : index
    %swap3A_47 = vector.load %arg4[%swap3A_43, %swap3A_44, %swap3A_45, %swap3A_46] : memref<2x3x1000x128xf32, #tpu.memory_space<vmem>>, vector<1x1x1000x128xf32>
    %swap3A_48 = vector.shape_cast %swap3A_47 : vector<1x1x1000x128xf32> to vector<1000x128xf32>
    %swap3A_49 = vector.shape_cast %dot_general3A_42 : vector<1000x128xf32> to vector<1x1x1000x128xf32>
    tpu.vector_store %arg4[%swap3A_43, %swap3A_44, %swap3A_45, %swap3A_46], %swap3A_49 {strides = array<i32>} : memref<2x3x1000x128xf32, #tpu.memory_space<vmem>>, vector<1x1x1000x128xf32>,
    %slice3A_50 = vector.extract_strided_slice %get3A_5 {offsets = [2, 0, 0], sizes = [1, 128, 128], strides = [1, 1, 1]} : vector<3x128x128xf32> to vector<1x128x128xf32>
    %squeeze3A_51 = vector.shape_cast %slice3A_50 : vector<1x128x128xf32> to vector<128x128xf32>
    %dot_general3A_52 = arith.constant dense<0.000000e+00> : vector<1000x128xf32>
    %dot_general3A_53 = tpu.matmul %get3A_1, %squeeze3A_51, %dot_general3A_52 {dimension_numbers = #tpu.dot_dimension_numbers<[1], [0], [0], [1], [0, 0, 1, 1], [], []>, transpose_lhs_hint = false} : vector<1000x128xf32>, vector<128x128xf32>, vector<1000x128xf32> -> vector<1000x128xf32>
    %swap3A_54 = arith.constant 0 : index
    %swap3A_55 = arith.constant 2 : index
    %swap3A_56 = arith.constant 0 : index
    %swap3A_57 = arith.constant 0 : index
    %swap3A_58 = vector.load %arg4[%swap3A_54, %swap3A_55, %swap3A_56, %swap3A_57] : memref<2x3x1000x128xf32, #tpu.memory_space<vmem>>, vector<1x1x1000x128xf32>
    %swap3A_59 = vector.shape_cast %swap3A_58 : vector<1x1x1000x128xf32> to vector<1000x128xf32>
    %swap3A_60 = vector.shape_cast %dot_general3A_53 : vector<1000x128xf32> to vector<1x1x1000x128xf32>
    tpu.vector_store %arg4[%swap3A_54, %swap3A_55, %swap3A_56, %swap3A_57], %swap3A_60 {strides = array<i32>} : memref<2x3x1000x128xf32, #tpu.memory_space<vmem>>, vector<1x1x1000x128xf32>,
    %slice3A_61 = vector.extract_strided_slice %get3A_9 {offsets = [2, 0, 0], sizes = [1, 128, 128], strides = [1, 1, 1]} : vector<3x128x128xf32> to vector<1x128x128xf32>
    %squeeze3A_62 = vector.shape_cast %slice3A_61 : vector<1x128x128xf32> to vector<128x128xf32>
    %dot_general3A_63 = arith.constant dense<0.000000e+00> : vector<1000x128xf32>
    %dot_general3A_64 = tpu.matmul %get3A_1, %squeeze3A_62, %dot_general3A_63 {dimension_numbers = #tpu.dot_dimension_numbers<[1], [0], [0], [1], [0, 0, 1, 1], [], []>, transpose_lhs_hint = false} : vector<1000x128xf32>, vector<128x128xf32>, vector<1000x128xf32> -> vector<1000x128xf32>
    %swap3A_65 = arith.constant 1 : index
    %swap3A_66 = arith.constant 2 : index
    %swap3A_67 = arith.constant 0 : index
    %swap3A_68 = arith.constant 0 : index
    %swap3A_69 = vector.load %arg4[%swap3A_65, %swap3A_66, %swap3A_67, %swap3A_68] : memref<2x3x1000x128xf32, #tpu.memory_space<vmem>>, vector<1x1x1000x128xf32>
    %swap3A_70 = vector.shape_cast %swap3A_69 : vector<1x1x1000x128xf32> to vector<1000x128xf32>
    %swap3A_71 = vector.shape_cast %dot_general3A_64 : vector<1000x128xf32> to vector<1x1x1000x128xf32>
    tpu.vector_store %arg4[%swap3A_65, %swap3A_66, %swap3A_67, %swap3A_68], %swap3A_71 {strides = array<i32>} : memref<2x3x1000x128xf32, #tpu.memory_space<vmem>>, vector<1x1x1000x128xf32>,
    return
  }
  func.func @transform_0(%arg0: i32) -> (i32, i32) {
    %c0_i32 = arith.constant 0 : i32
    %c0_i32_0 = arith.constant 0 : i32
    return %arg0, %c0_i32 : i32, i32
  }
  func.func @transform_1(%arg0: i32) -> (i32, i32, i32) {
    %c0_i32 = arith.constant 0 : i32
    %c0_i32_0 = arith.constant 0 : i32
    %c0_i32_1 = arith.constant 0 : i32
    %c0_i32_2 = arith.constant 0 : i32
    return %c0_i32, %c0_i32_0, %c0_i32_1 : i32, i32, i32
  }
  func.func @transform_2(%arg0: i32) -> (i32, i32, i32) {
    %c0_i32 = arith.constant 0 : i32
    %c0_i32_0 = arith.constant 0 : i32
    %c0_i32_1 = arith.constant 0 : i32
    %c0_i32_2 = arith.constant 0 : i32
    return %c0_i32, %c0_i32_0, %c0_i32_1 : i32, i32, i32
  }
  func.func @transform_3(%arg0: i32) -> (i32, i32, i32, i32) {
    %c0_i32 = arith.constant 0 : i32
    %c0_i32_0 = arith.constant 0 : i32
    %c0_i32_1 = arith.constant 0 : i32
    %c0_i32_2 = arith.constant 0 : i32
    return %c0_i32, %c0_i32_0, %arg0, %c0_i32_1 : i32, i32, i32, i32
  }
}

module attributes {stable_mosaic.version = 14 : i64} {
  func.func @body(%arg0: i32, %arg1: memref<1000x128xf32, #tpu.memory_space<vmem>>, %arg2: memref<1000x128xf32, #tpu.memory_space<vmem>>, %arg3: memref<1000x128xf32, #tpu.memory_space<vmem>>, %arg4: memref<1000x8xf32, #tpu.memory_space<vmem>>, %arg5: memref<128x128xf32, #tpu.memory_space<vmem>>, %arg6: memref<128x128xf32, #tpu.memory_space<vmem>>, %arg7: memref<128x128xf32, #tpu.memory_space<vmem>>, %arg8: memref<128x128xf32, #tpu.memory_space<vmem>>, %arg9: memref<128x2xf32, #tpu.memory_space<vmem>>, %arg10: memref<8x128xf32, #tpu.memory_space<vmem>>, %arg11: memref<8x128xf32, #tpu.memory_space<vmem>>) attributes {dimension_semantics = [#tpu.dimension_semantics<arbitrary>], iteration_bounds = array<i64: 10>, scalar_prefetch = 0 : i64, scratch_operands = 0 : i64, tpu.core_type = #tpu.core_type<tc>, window_params = [{transform_indices = @transform_0, window_bounds = array<i64: 1000, 128>}, {transform_indices = @transform_1, window_bounds = array<i64: 1000, 128>}, {transform_indices = @transform_2, window_bounds = array<i64: 1000, 128>}, {transform_indices = @transform_3, window_bounds = array<i64: 1000, 8>}, {pipeline_mode = #tpu.pipeline_mode<synchronous>, transform_indices = @transform_4, window_bounds = array<i64: 128, 128>}, {pipeline_mode = #tpu.pipeline_mode<synchronous>, transform_indices = @transform_5, window_bounds = array<i64: 128, 128>}, {pipeline_mode = #tpu.pipeline_mode<synchronous>, transform_indices = @transform_6, window_bounds = array<i64: 128, 128>}, {pipeline_mode = #tpu.pipeline_mode<synchronous>, transform_indices = @transform_7, window_bounds = array<i64: 128, 128>}, {pipeline_mode = #tpu.pipeline_mode<synchronous>, transform_indices = @transform_8, window_bounds = array<i64: 128, 2>}, {pipeline_mode = #tpu.pipeline_mode<synchronous>, transform_indices = @transform_9, window_bounds = array<i64: 8, 128>}, {pipeline_mode = #tpu.pipeline_mode<synchronous>, transform_indices = @transform_10, window_bounds = array<i64: 8, 128>}]} {
    %get3A = arith.constant 0 : index
    %get3A_0 = arith.constant 0 : index
    %get3A_1 = vector.load %arg3[%get3A, %get3A_0] : memref<1000x128xf32, #tpu.memory_space<vmem>>, vector<1000x128xf32>
    %get3A_2 = arith.constant 0 : index
    %get3A_3 = arith.constant 0 : index
    %get3A_4 = vector.load %arg4[%get3A_2, %get3A_3] : memref<1000x8xf32, #tpu.memory_space<vmem>>, vector<1000x8xf32>
    %get3A_5 = arith.constant 0 : index
    %get3A_6 = arith.constant 0 : index
    %get3A_7 = vector.load %arg10[%get3A_5, %get3A_6] : memref<8x128xf32, #tpu.memory_space<vmem>>, vector<8x128xf32>
    %slice3A = vector.extract_strided_slice %get3A_4 {offsets = [0, 0], sizes = [1000, 1], strides = [1, 1]} : vector<1000x8xf32> to vector<1000x1xf32>
    %max3A = arith.constant 1.000000e+00 : f32
    %max3A_8 = vector.broadcast %max3A : f32 to vector<1000x1xf32>
    %max3A_9 = arith.maximumf %slice3A, %max3A_8 : vector<1000x1xf32>
    %div3A = arith.constant 1.000000e+00 : f32
    %div3A_10 = vector.broadcast %div3A : f32 to vector<1000x1xf32>
    %div3A_11 = arith.divf %div3A_10, %max3A_9 : vector<1000x1xf32>
    %get3A_12 = arith.constant 0 : index
    %get3A_13 = arith.constant 0 : index
    %get3A_14 = vector.load %arg1[%get3A_12, %get3A_13] : memref<1000x128xf32, #tpu.memory_space<vmem>>, vector<1000x128xf32>
    %mul3A = vector.broadcast %div3A_11 : vector<1000x1xf32> to vector<1000x128xf32>
    %mul3A_15 = arith.mulf %get3A_14, %mul3A : vector<1000x128xf32>
    %get3A_16 = arith.constant 0 : index
    %get3A_17 = arith.constant 0 : index
    %get3A_18 = vector.load %arg5[%get3A_16, %get3A_17] : memref<128x128xf32, #tpu.memory_space<vmem>>, vector<128x128xf32>
    %dot_general3A = arith.constant dense<0.000000e+00> : vector<1000x128xf32>
    %dot_general3A_19 = tpu.matmul %get3A_1, %get3A_18, %dot_general3A {dimension_numbers = #tpu.dot_dimension_numbers<[1], [0], [0], [1], [0, 0, 1, 1], [], []>, transpose_lhs_hint = false} : vector<1000x128xf32>, vector<128x128xf32>, vector<1000x128xf32> -> vector<1000x128xf32>
    %add3A = arith.addf %mul3A_15, %dot_general3A_19 : vector<1000x128xf32>
    %slice3A_20 = vector.extract_strided_slice %get3A_7 {offsets = [0, 0], sizes = [1, 128], strides = [1, 1]} : vector<8x128xf32> to vector<1x128xf32>
    %add3A_21 = vector.broadcast %slice3A_20 : vector<1x128xf32> to vector<1000x128xf32>
    %add3A_22 = arith.addf %add3A, %add3A_21 : vector<1000x128xf32>
    %max3A_23 = arith.constant 0.000000e+00 : f32
    %max3A_24 = vector.broadcast %max3A_23 : f32 to vector<1000x128xf32>
    %max3A_25 = arith.maximumf %add3A_22, %max3A_24 : vector<1000x128xf32>
    %get3A_26 = arith.constant 0 : index
    %get3A_27 = arith.constant 0 : index
    %get3A_28 = vector.load %arg2[%get3A_26, %get3A_27] : memref<1000x128xf32, #tpu.memory_space<vmem>>, vector<1000x128xf32>
    %mul3A_29 = vector.broadcast %div3A_11 : vector<1000x1xf32> to vector<1000x128xf32>
    %mul3A_30 = arith.mulf %get3A_28, %mul3A_29 : vector<1000x128xf32>
    %get3A_31 = arith.constant 0 : index
    %get3A_32 = arith.constant 0 : index
    %get3A_33 = vector.load %arg6[%get3A_31, %get3A_32] : memref<128x128xf32, #tpu.memory_space<vmem>>, vector<128x128xf32>
    %dot_general3A_34 = arith.constant dense<0.000000e+00> : vector<1000x128xf32>
    %dot_general3A_35 = tpu.matmul %get3A_1, %get3A_33, %dot_general3A_34 {dimension_numbers = #tpu.dot_dimension_numbers<[1], [0], [0], [1], [0, 0, 1, 1], [], []>, transpose_lhs_hint = false} : vector<1000x128xf32>, vector<128x128xf32>, vector<1000x128xf32> -> vector<1000x128xf32>
    %add3A_36 = arith.addf %mul3A_30, %dot_general3A_35 : vector<1000x128xf32>
    %slice3A_37 = vector.extract_strided_slice %get3A_7 {offsets = [1, 0], sizes = [1, 128], strides = [1, 1]} : vector<8x128xf32> to vector<1x128xf32>
    %add3A_38 = vector.broadcast %slice3A_37 : vector<1x128xf32> to vector<1000x128xf32>
    %add3A_39 = arith.addf %add3A_36, %add3A_38 : vector<1000x128xf32>
    %max3A_40 = arith.constant 0.000000e+00 : f32
    %max3A_41 = vector.broadcast %max3A_40 : f32 to vector<1000x128xf32>
    %max3A_42 = arith.maximumf %add3A_39, %max3A_41 : vector<1000x128xf32>
    %get3A_43 = arith.constant 0 : index
    %get3A_44 = arith.constant 0 : index
    %get3A_45 = vector.load %arg7[%get3A_43, %get3A_44] : memref<128x128xf32, #tpu.memory_space<vmem>>, vector<128x128xf32>
    %dot_general3A_46 = arith.constant dense<0.000000e+00> : vector<1000x128xf32>
    %dot_general3A_47 = tpu.matmul %max3A_25, %get3A_45, %dot_general3A_46 {dimension_numbers = #tpu.dot_dimension_numbers<[1], [0], [0], [1], [0, 0, 1, 1], [], []>, transpose_lhs_hint = false} : vector<1000x128xf32>, vector<128x128xf32>, vector<1000x128xf32> -> vector<1000x128xf32>
    %slice3A_48 = vector.extract_strided_slice %get3A_7 {offsets = [2, 0], sizes = [1, 128], strides = [1, 1]} : vector<8x128xf32> to vector<1x128xf32>
    %add3A_49 = vector.broadcast %slice3A_48 : vector<1x128xf32> to vector<1000x128xf32>
    %add3A_50 = arith.addf %dot_general3A_47, %add3A_49 : vector<1000x128xf32>
    %max3A_51 = arith.constant 0.000000e+00 : f32
    %max3A_52 = vector.broadcast %max3A_51 : f32 to vector<1000x128xf32>
    %max3A_53 = arith.maximumf %add3A_50, %max3A_52 : vector<1000x128xf32>
    %get3A_54 = arith.constant 0 : index
    %get3A_55 = arith.constant 0 : index
    %get3A_56 = vector.load %arg8[%get3A_54, %get3A_55] : memref<128x128xf32, #tpu.memory_space<vmem>>, vector<128x128xf32>
    %dot_general3A_57 = arith.constant dense<0.000000e+00> : vector<1000x128xf32>
    %dot_general3A_58 = tpu.matmul %max3A_42, %get3A_56, %dot_general3A_57 {dimension_numbers = #tpu.dot_dimension_numbers<[1], [0], [0], [1], [0, 0, 1, 1], [], []>, transpose_lhs_hint = false} : vector<1000x128xf32>, vector<128x128xf32>, vector<1000x128xf32> -> vector<1000x128xf32>
    %slice3A_59 = vector.extract_strided_slice %get3A_7 {offsets = [3, 0], sizes = [1, 128], strides = [1, 1]} : vector<8x128xf32> to vector<1x128xf32>
    %add3A_60 = vector.broadcast %slice3A_59 : vector<1x128xf32> to vector<1000x128xf32>
    %add3A_61 = arith.addf %dot_general3A_58, %add3A_60 : vector<1000x128xf32>
    %max3A_62 = arith.constant 0.000000e+00 : f32
    %max3A_63 = vector.broadcast %max3A_62 : f32 to vector<1000x128xf32>
    %max3A_64 = arith.maximumf %add3A_61, %max3A_63 : vector<1000x128xf32>
    %get3A_65 = arith.constant 0 : index
    %get3A_66 = arith.constant 0 : index
    %get3A_67 = vector.load %arg9[%get3A_65, %get3A_66] : memref<128x2xf32, #tpu.memory_space<vmem>>, vector<128x2xf32>
    %slice3A_68 = vector.extract_strided_slice %get3A_67 {offsets = [0, 0], sizes = [128, 1], strides = [1, 1]} : vector<128x2xf32> to vector<128x1xf32>
    %dot_general3A_69 = arith.constant dense<0.000000e+00> : vector<1000x1xf32>
    %dot_general3A_70 = tpu.matmul %max3A_53, %slice3A_68, %dot_general3A_69 {dimension_numbers = #tpu.dot_dimension_numbers<[1], [0], [0], [1], [0, 0, 1, 1], [], []>, transpose_lhs_hint = false} : vector<1000x128xf32>, vector<128x1xf32>, vector<1000x1xf32> -> vector<1000x1xf32>
    %slice3A_71 = vector.extract_strided_slice %get3A_7 {offsets = [4, 0], sizes = [1, 1], strides = [1, 1]} : vector<8x128xf32> to vector<1x1xf32>
    %add3A_72 = vector.broadcast %slice3A_71 : vector<1x1xf32> to vector<1000x1xf32>
    %add3A_73 = arith.addf %dot_general3A_70, %add3A_72 : vector<1000x1xf32>
    %slice3A_74 = vector.extract_strided_slice %get3A_67 {offsets = [0, 1], sizes = [128, 1], strides = [1, 1]} : vector<128x2xf32> to vector<128x1xf32>
    %dot_general3A_75 = arith.constant dense<0.000000e+00> : vector<1000x1xf32>
    %dot_general3A_76 = tpu.matmul %max3A_64, %slice3A_74, %dot_general3A_75 {dimension_numbers = #tpu.dot_dimension_numbers<[1], [0], [0], [1], [0, 0, 1, 1], [], []>, transpose_lhs_hint = false} : vector<1000x128xf32>, vector<128x1xf32>, vector<1000x1xf32> -> vector<1000x1xf32>
    %slice3A_77 = vector.extract_strided_slice %get3A_7 {offsets = [4, 1], sizes = [1, 1], strides = [1, 1]} : vector<8x128xf32> to vector<1x1xf32>
    %add3A_78 = vector.broadcast %slice3A_77 : vector<1x1xf32> to vector<1000x1xf32>
    %add3A_79 = arith.addf %dot_general3A_76, %add3A_78 : vector<1000x1xf32>
    %slice3A_80 = vector.extract_strided_slice %get3A_4 {offsets = [0, 2], sizes = [1000, 1], strides = [1, 1]} : vector<1000x8xf32> to vector<1000x1xf32>
    %eq3A = arith.constant 0.000000e+00 : f32
    %eq3A_81 = vector.broadcast %eq3A : f32 to vector<1000x1xf32>
    %eq3A_82 = arith.cmpf oeq, %slice3A_80, %eq3A_81 : vector<1000x1xf32>
    %slice3A_83 = vector.extract_strided_slice %get3A_4 {offsets = [0, 3], sizes = [1000, 1], strides = [1, 1]} : vector<1000x8xf32> to vector<1000x1xf32>
    %eq3A_84 = arith.constant 1.000000e+00 : f32
    %eq3A_85 = vector.broadcast %eq3A_84 : f32 to vector<1000x1xf32>
    %eq3A_86 = arith.cmpf oeq, %slice3A_83, %eq3A_85 : vector<1000x1xf32>
    %and3A = arith.andi %eq3A_82, %eq3A_86 : vector<1000x1xi1>
    %abs3A = math.absf %add3A_73 : vector<1000x1xf32>
    %slice3A_87 = vector.extract_strided_slice %get3A_4 {offsets = [0, 1], sizes = [1000, 1], strides = [1, 1]} : vector<1000x8xf32> to vector<1000x1xf32>
    %mul3A_88 = arith.mulf %abs3A, %slice3A_87 : vector<1000x1xf32>
    %add3A_89 = arith.addf %mul3A_88, %add3A_79 : vector<1000x1xf32>
    %jit3A = arith.constant 0.000000e+00 : f32
    %broadcast_in_dim3A = vector.broadcast %jit3A : f32 to vector<1000x1xf32>
    %select_n3A = arith.select %and3A, %add3A_89, %broadcast_in_dim3A : vector<1000x1xi1>, vector<1000x1xf32>
    %slice3A_90 = vector.extract_strided_slice %get3A_4 {offsets = [0, 4], sizes = [1000, 1], strides = [1, 1]} : vector<1000x8xf32> to vector<1000x1xf32>
    %iota3A = tpu.iota {dimensions = array<i32: 1>} : vector<1000x128xi32>
    %convert_element_type3A = arith.sitofp %iota3A : vector<1000x128xi32> to vector<1000x128xf32>
    %eq3A_91 = vector.broadcast %slice3A_90 : vector<1000x1xf32> to vector<1000x128xf32>
    %eq3A_92 = arith.cmpf oeq, %eq3A_91, %convert_element_type3A : vector<1000x128xf32>
    %jit3A_93 = arith.constant 1.000000e+00 : f32
    %jit3A_94 = arith.constant 0.000000e+00 : f32
    %broadcast_in_dim3A_95 = vector.broadcast %jit3A_93 : f32 to vector<1000x128xf32>
    %broadcast_in_dim3A_96 = vector.broadcast %jit3A_94 : f32 to vector<1000x128xf32>
    %select_n3A_97 = arith.select %eq3A_92, %broadcast_in_dim3A_95, %broadcast_in_dim3A_96 : vector<1000x128xi1>, vector<1000x128xf32>
    %mul3A_98 = vector.broadcast %select_n3A : vector<1000x1xf32> to vector<1000x128xf32>
    %mul3A_99 = arith.mulf %select_n3A_97, %mul3A_98 : vector<1000x128xf32>
    %reduce_sum3A = arith.constant dense<0.000000e+00> : vector<128xf32>
    %reduce_sum3A_100 = vector.multi_reduction <add>, %mul3A_99, %reduce_sum3A [0] : vector<1000x128xf32> to vector<128xf32>
    %broadcast_in_dim3A_101 = vector.shape_cast %reduce_sum3A_100 : vector<128xf32> to vector<1x128xf32>
    %eq3A_102 = arith.constant 0 : i32
    %eq3A_103 = arith.cmpi eq, %arg0, %eq3A_102 : i32
    %convert_element_type3A_104 = arith.extui %eq3A_103 : i1 to i32
    %cond3A = arith.constant 0 : i32
    %cond3A_105 = arith.cmpi ne, %convert_element_type3A_104, %cond3A : i32
    scf.if %cond3A_105 {
      %broadcast_in_dim3A_112 = arith.constant 0.000000e+00 : f32
      %broadcast_in_dim3A_113 = vector.broadcast %broadcast_in_dim3A_112 : f32 to vector<8x128xf32>
      %swap3A_114 = arith.constant 0 : index
      %swap3A_115 = arith.constant 0 : index
      %swap3A_116 = vector.load %arg11[%swap3A_114, %swap3A_115] : memref<8x128xf32, #tpu.memory_space<vmem>>, vector<8x128xf32>
      tpu.vector_store %arg11[%swap3A_114, %swap3A_115], %broadcast_in_dim3A_113 {strides = array<i32>} : memref<8x128xf32, #tpu.memory_space<vmem>>, vector<8x128xf32>,
    } else {
    }
    %get3A_106 = arith.constant 0 : index
    %get3A_107 = arith.constant 0 : index
    %get3A_108 = vector.load %arg11[%get3A_106, %get3A_107] : memref<8x128xf32, #tpu.memory_space<vmem>>, vector<1x128xf32>
    %add3A_109 = arith.addf %get3A_108, %broadcast_in_dim3A_101 : vector<1x128xf32>
    %swap3A = arith.constant 0 : index
    %swap3A_110 = arith.constant 0 : index
    %swap3A_111 = vector.load %arg11[%swap3A, %swap3A_110] : memref<8x128xf32, #tpu.memory_space<vmem>>, vector<1x128xf32>
    tpu.vector_store %arg11[%swap3A, %swap3A_110], %add3A_109 {strides = array<i32>} : memref<8x128xf32, #tpu.memory_space<vmem>>, vector<1x128xf32>,
    return
  }
  func.func @transform_0(%arg0: i32) -> (i32, i32) {
    %c0_i32 = arith.constant 0 : i32
    %c0_i32_0 = arith.constant 0 : i32
    return %arg0, %c0_i32 : i32, i32
  }
  func.func @transform_1(%arg0: i32) -> (i32, i32) {
    %c0_i32 = arith.constant 0 : i32
    %c0_i32_0 = arith.constant 0 : i32
    return %arg0, %c0_i32 : i32, i32
  }
  func.func @transform_2(%arg0: i32) -> (i32, i32) {
    %c0_i32 = arith.constant 0 : i32
    %c0_i32_0 = arith.constant 0 : i32
    return %arg0, %c0_i32 : i32, i32
  }
  func.func @transform_3(%arg0: i32) -> (i32, i32) {
    %c0_i32 = arith.constant 0 : i32
    %c0_i32_0 = arith.constant 0 : i32
    return %arg0, %c0_i32 : i32, i32
  }
  func.func @transform_4(%arg0: i32) -> (i32, i32) {
    %c0_i32 = arith.constant 0 : i32
    %c0_i32_0 = arith.constant 0 : i32
    %c0_i32_1 = arith.constant 0 : i32
    return %c0_i32, %c0_i32_0 : i32, i32
  }
  func.func @transform_5(%arg0: i32) -> (i32, i32) {
    %c0_i32 = arith.constant 0 : i32
    %c0_i32_0 = arith.constant 0 : i32
    %c0_i32_1 = arith.constant 0 : i32
    return %c0_i32, %c0_i32_0 : i32, i32
  }
  func.func @transform_6(%arg0: i32) -> (i32, i32) {
    %c0_i32 = arith.constant 0 : i32
    %c0_i32_0 = arith.constant 0 : i32
    %c0_i32_1 = arith.constant 0 : i32
    return %c0_i32, %c0_i32_0 : i32, i32
  }
  func.func @transform_7(%arg0: i32) -> (i32, i32) {
    %c0_i32 = arith.constant 0 : i32
    %c0_i32_0 = arith.constant 0 : i32
    %c0_i32_1 = arith.constant 0 : i32
    return %c0_i32, %c0_i32_0 : i32, i32
  }
  func.func @transform_8(%arg0: i32) -> (i32, i32) {
    %c0_i32 = arith.constant 0 : i32
    %c0_i32_0 = arith.constant 0 : i32
    %c0_i32_1 = arith.constant 0 : i32
    return %c0_i32, %c0_i32_0 : i32, i32
  }
  func.func @transform_9(%arg0: i32) -> (i32, i32) {
    %c0_i32 = arith.constant 0 : i32
    %c0_i32_0 = arith.constant 0 : i32
    %c0_i32_1 = arith.constant 0 : i32
    return %c0_i32, %c0_i32_0 : i32, i32
  }
  func.func @transform_10(%arg0: i32) -> (i32, i32) {
    %c0_i32 = arith.constant 0 : i32
    %c0_i32_0 = arith.constant 0 : i32
    %c0_i32_1 = arith.constant 0 : i32
    return %c0_i32, %c0_i32_0 : i32, i32
  }
}

</mosaic_0001>

<sc_bundles>
// kernel: kernel.5.cloned.1.call-start
scs
__scs_entry_jumppad:
0x0: {  	(pc) =	sbr.rel $0x88, $3  }
0x1: {  	(tag) =	ssettag $0x0;
	lr =	simm.s32 $0x1  }
0x2: {  	[smem:$0x3F8C] =	sst lr;
	_ =	strace $0xD0000000  }
0x3: {  	_ = 	snop  }
0x4: {  	_ = 	snop  }
0x5: {  	_ = 	snop  }
0x6: {  	_ = 	snop  }
0x7: {  	_ = 	snop  }
__scs_overlays_trampoline_lowered:
0x8: {  	[smem:$0x3F9B] =	sst s0  }
0x9: {  	[smem:$0x3F9C] =	sst s1  }
0xa: {  	[smem:$0x3F9D] =	sst s2  }
0xb: {  	[smem:$0x3F9E] =	sst s3  }
0xc: {  	[smem:$0x3F9F] =	sst s4  }
0xd: {  	[smem:$0x3FA0] =	sst s5  }
0xe: {  	[smem:$0x3FA1] =	sst s6  }
0xf: {  	[smem:$0x3FA2] =	sst s7  }
0x10: {  	[smem:$0x3FA3] =	sst s8  }
0x11: {  	[smem:$0x3FA4] =	sst s9;
	s0 =	simm.s32 @!p0 $0x0  }
0x12: {  	s1 =	sld [smem:$0x3F8A];
	s0 =	simm.s32 @p0 $0x1  }
0x13: {  	[smem:$0x3FA5] =	sst s0;
	s0 =	simm.s32 @!p1 $0x0  }
0x14: {  	s2 =	sld [smem:$0x3F89];
	s0 =	simm.s32 @p1 $0x1  }
0x15: {  	[smem:$0x3FA6] =	sst s0;
	s0 =	simm.s32 @!p2 $0x0  }
0x16: {  	s3 =	sld [smem:$0x3FDB];
	s0 =	simm.s32 @p2 $0x1  }
0x17: {  	s4 =	simm.s32 $0x1BF5;
	[smem:$0x3FA8] =	sst s0  }
0x18: {  	s0 =	sld [smem:$0x3F8B];
	_ =	swait.ge [sflag:s4], $0x0  }
0x19: {  	s7 =	sld [smem:$0x3F8C]  }
0x1a: {  	s8 =	sadd.s32 $0xFFFFE003, lr  }
0x1b: {  	s9 =	sadd.s32 $0xFFFFFEF7, lr;
	s5 =	simm.s32 $0xFFFFFFFF;
	p2 =	slt.u32 s8, $0xFFFFF086  }
0x1c: {  	p1 =	slt.u32 s9, $0xF7A;
	s5 =	simm.s32 @!p2 $0x0  }
0x1d: {  	s5 =	simm.s32 @p1 $0x1;
	p0 =	seq.s32 s7, s2  }
0x1e: {  	s7 =	smul.u32 @!p0 $0xF7A, s2;
	p2 =	seq.s32 @!p0 s5, $0x0  }
0x1f: {  	s9 =	smul.u32 $0xF7A, s1;
	s8 =	simm.s32 @!p0 $0x1BF5;
	p2 =	por !p2, p0  }
0x20: {  	[sflag:s8] =	ssyncset.s32 @!p0 $0xFFFFF086;
	s6 =	sadd.s32 @!p0 s3, s7;
	s7 =	simm.s32 @!p0 $0x108  }
0x21: {  	s3 =	sadd.s32 s3, s9;
	s6 =	sadd.s32 @!p0 $0x88, s6;
	s7 =	simm.s32 @p2 $0x1082  }
0x22: {  	[simem:s7], [sflag:s8] =	dma.local @!p0 [hbm:s6], $0xF7A  }
0x23: {  	s9 =	sor.u32 $0xD0000000, s2;
	s6 =	simm.s32 $0x108;
	_ =	swait.ge @!p0 [sflag:s8], $0x0  }
0x24: {  	s3 =	sadd.s32 $0x88, s3;
	s6 =	simm.s32 @!p1 $0x1082;
	[sflag:s4] =	ssyncset.s32 $0xFFFFF086  }
0x25: {  	[simem:s6], [sflag:s4] =	dma.local [hbm:s3], $0xF7A  }
0x26: {  	[smem:$0x3F8C] =	sst s1;
	(tag) =	ssettag s2;
	_ =	strace s9  }
0x27: {  	s1 =	sld [smem:$0x3F9C]  }
0x28: {  	s2 =	sld [smem:$0x3F9D]  }
0x29: {  	s4 =	sld [smem:$0x3F9F]  }
0x2a: {  	p0 =	seq.s32 s5, $0x0;
	s5 =	sld [smem:$0x3FA0]  }
0x2b: {  	s6 =	sld [smem:$0x3FA1]  }
0x2c: {  	s7 =	sld [smem:$0x3FA2]  }
0x2d: {  	s3 =	simm.s32 $0x108;
	s8 =	sld [smem:$0x3FA3]  }
0x2e: {  	s3 =	simm.s32 @!p0 $0x1082;
	s9 =	sld [smem:$0x3FA4]  }
0x2f: {  	lr =	sadd.s32 s0, s3;
	s0 =	sld [smem:$0x3F9B]  }
0x30: {  	s3 =	sld [smem:$0x3F9E]  }
0x31: {  	[smem:$0x3FA7] =	sst s10  }
0x32: {  	s10 =	sld [smem:$0x3FA5];
	_ =	sdelay $0x3  }
0x33: {  	p0 =	seq.s32 s10, $0x1;
	s10 =	sld [smem:$0x3FA7];
	_ =	sdelay $0x3  }
0x34: {  	[smem:$0x3FA7] =	sst s10  }
0x35: {  	s10 =	sld [smem:$0x3FA6];
	_ =	sdelay $0x3  }
0x36: {  	p1 =	seq.s32 s10, $0x1;
	s10 =	sld [smem:$0x3FA7];
	_ =	sdelay $0x3  }
0x37: {  	[smem:$0x3FA7] =	sst s10  }
0x38: {  	s10 =	sld [smem:$0x3FA8]  }
0x39: {  	_ = 	snop;
	(pc) =	sbr.ind lr, $3  }
0x3a: {  	_ = 	snop  }
0x3b: {  	_ = 	snop  }
0x3c: {  	p2 =	seq.s32 s10, $0x1;
	s10 =	sld [smem:$0x3FA7]  }
0x3d: {  	_ =	shalt  }
0x3e: {  	_ =	shalt  }
0x3f: {  	_ =	shalt  }
0x40: {  	_ =	shalt  }
0x41: {  	_ =	shalt  }
0x42: {  	_ =	shalt  }
0x43: {  	_ =	shalt  }
0x44: {  	_ =	shalt  }
0x45: {  	_ =	shalt  }
0x46: {  	_ =	shalt  }
0x47: {  	_ =	shalt  }
0x48: {  	_ =	shalt  }
0x49: {  	_ =	shalt  }
0x4a: {  	_ =	shalt  }
0x4b: {  	_ =	shalt  }
0x4c: {  	_ =	shalt  }
0x4d: {  	_ =	shalt  }
0x4e: {  	_ =	shalt  }
0x4f: {  	_ =	shalt  }
0x50: {  	_ =	shalt  }
0x51: {  	_ =	shalt  }
0x52: {  	_ =	shalt  }
0x53: {  	_ =	shalt  }
0x54: {  	_ =	shalt  }
0x55: {  	_ =	shalt  }
0x56: {  	_ =	shalt  }
0x57: {  	_ =	shalt  }
0x58: {  	_ =	shalt  }
0x59: {  	_ =	shalt  }
0x5a: {  	_ =	shalt  }
0x5b: {  	_ =	shalt  }
0x5c: {  	_ =	shalt  }
0x5d: {  	_ =	shalt  }
0x5e: {  	_ =	shalt  }
0x5f: {  	_ =	shalt  }
0x60: {  	_ =	shalt  }
0x61: {  	_ =	shalt  }
0x62: {  	_ =	shalt  }
0x63: {  	_ =	shalt  }
0x64: {  	_ =	shalt  }
0x65: {  	_ =	shalt  }
0x66: {  	_ =	shalt  }
0x67: {  	_ =	shalt  }
0x68: {  	_ =	shalt  }
0x69: {  	_ =	shalt  }
0x6a: {  	_ =	shalt  }
0x6b: {  	_ =	shalt  }
0x6c: {  	_ =	shalt  }
0x6d: {  	_ =	shalt  }
0x6e: {  	_ =	shalt  }
0x6f: {  	_ =	shalt  }
0x70: {  	_ =	shalt  }
0x71: {  	_ =	shalt  }
0x72: {  	_ =	shalt  }
0x73: {  	_ =	shalt  }
0x74: {  	_ =	shalt  }
0x75: {  	_ =	shalt  }
0x76: {  	_ =	shalt  }
0x77: {  	_ =	shalt  }
0x78: {  	_ =	shalt  }
0x79: {  	_ =	shalt  }
0x7a: {  	_ =	shalt  }
0x7b: {  	_ =	shalt  }
0x7c: {  	_ =	shalt  }
0x7d: {  	_ =	shalt  }
0x7e: {  	_ =	shalt  }
0x7f: {  	_ =	shalt  }
0x80: {  	_ =	shalt  }
0x81: {  	_ =	shalt  }
0x82: {  	_ =	shalt  }
0x83: {  	_ =	shalt  }
0x84: {  	_ =	shalt  }
0x85: {  	_ =	shalt  }
0x86: {  	_ =	shalt  }
0x87: {  	_ =	shalt  }
.Lfunc_end0:
.L_simem_size_0:
called_computation_lowered:
.L_overlay_start_0:
0x88: {  	s2 =	sld [smem:$0x3FD9]  }
0x89: {  	s3 =	sld [smem:$0x3FFE];
	_ =	sdelay $0x1  }
0x8a: {  	s1 =	srdreg.scid  }
0x8b: {  	s0 =	sand.u32 $0x1, s1  }
0x8c: {  	s16 =	sshll.u32 s0, $0xA;
	s2 =	sadd.s32 s3, s2  }
0x8d: {  	s2 =	sadd.s32 s2, s16  }
0x8e: {  	[smem:$0x3FB3] =	sst s2  }
0x8f: {  	_ = 	snop  }
0x90: {  	(tm) =	ssettm $0x1  }
0x91: {  	s17 =	sld [smem:$0x3FFB];
	_ =	sdelay $0x3  }
0x92: {  	_ =	strace s17  }
0x93: {  	s2 =	sld [smem:$0x3FFC];
	_ =	sdelay $0x3  }
0x94: {  	_ =	strace s2  }
0x95: {  	s2 =	sld [smem:$0x3FFD];
	_ =	sdelay $0x3  }
0x96: {  	_ =	strace s2  }
0x97: {  	_ =	strace $0x8FFFFFFF  }
0x98: {  	s18 =	sld [smem:$0x3FDB];
	_ =	sdelay $0x1  }
0x99: {  	s19 =	simm.s32 $_scs_section_size  }
0x9a: {  	s4 =	simm.s32 $_size__tile_overlayer_lowered;
	s5 =	simm.s32 $_tile_overlayer_lowered  }
0x9b: {  	s22 =	simm.s32 $0x1BFF;
	s21 =	sshll.u32 s5, $0x1;
	s2 =	sadd.s32 s19, s18  }
0x9c: {  	s6 =	simm.s32 $0x0;
	s20 =	sshll.u32 s4, $0x1;
	s4 =	sadd.s32 s21, s2  }
0x9d: {  	[timem:s6], [sflag:s22] =	dma.local [hbm:s4], s20  }
0x9e: {  	_ =	swait.ge [sflag:s22], s20  }
0x9f: {  	s3 =	ssub.s32 $0x0, s20;
	[sflag:s22] =	ssyncset.done $0x0  }
0xa0: {  	[sflag:s22] =	ssyncadd.s32 s3;
	_ =	sdelay $0x1  }
0xa1: {  	s23 =	simm.s32 $0x1B8B  }
0xa2: {  	_ =	swait.ge [sflag:s23], $0x1  }
0xa3: {  	[sflag:s23] =	ssyncset.done $0x0  }
0xa4: {  	s25 =	simm.s32 $0x1B8E;
	s24 =	sld [smem:$0x3FFE];
	[sflag:s23] =	ssyncadd.s32 $0xFFFFFFFF  }
0xa5: {  	s26 =	simm.s32 $execute0_lowered;
	[smem:$0x3FD2] =	sst s25  }
0xa6: {  	s4 =	sshll.u32 s26, $0x1;
	_ =	strace $0x80000046;
	[dreg:$0x1] =	wrdreg $0xFFFFFFFF  }
0xa7: {  	s28 =	simm.s32 $_size_execute0_lowered;
	s2 =	sadd.s32 s2, s4;
	[dreg:$0x0] =	wrdreg $0x0  }
0xa8: {  	s4 =	sshll.u32 s28, $0x1;
	[dreg:$0x2] =	wrdreg s2  }
0xa9: {  	[dreg:$0x3] =	wrdreg s4  }
0xaa: {  	[dreg:$0x4] =	wrdreg $0xC0  }
0xab: {  	_ =	task [dreg:s6], $0x5FFFF  }
0xac: {  	[dreg:$0x1] =	wrdreg $0xFFFFFFFF  }
0xad: {  	[dreg:$0x0] =	wrdreg $0x60  }
0xae: {  	[dreg:$0x2] =	wrdreg s24  }
0xaf: {  	[dreg:$0x3] =	wrdreg $0x0  }
0xb0: {  	[dreg:$0x4] =	wrdreg $0x9  }
0xb1: {  	_ =	task.clear_ibuf [dreg:s6], $0x5FFFF;
	_ =	strace $0x90000046  }
0xb2: {  	s29 =	simm.s32 $0x9;
	_ =	strace $0x80000048  }
0xb3: {  	_ =	swait.ge [sflag:s29], $0x1  }
0xb4: {  	[sflag:s29] =	ssyncadd.s32 $0xFFFFFFFF  }
0xb5: {  	_ =	strace $0x90000048  }
0xb6: {  	_ =	sfence  }
0xb7: {  	s30 =	sld [smem:$0x0];
	_ =	sdelay $0x2  }
0xb8: {  	s31 =	sshll.u32 s1, $0xD;
	s1 =	sshrl.u32 s1, $0x2  }
0xb9: {  	s3 =	sand.u32 $0x4000, s31;
	s1 =	sadd.s32 s1, s30  }
0xba: {  	s0 =	sor.u32 s3, s0;
	s1 =	sshll.u32 s1, $0x11  }
0xbb: {  	s0 =	sor.u32 s1, s0  }
0xbc: {  	s0 =	sadd.s32 $0x8F2B, s0  }
0xbd: {  	[sflag:s0] =	ssyncadd.remote.s32 $0x1  }
0xbe: {  	_ =	sfence.sel $0xFFFF  }
0xbf: {  	[dreg:$0x0] =	wrdreg $0xFFFFFFFF;
	(pc) =	sbr.abs _section_cstart, $3  }
0xc0: {  	[dreg:$0x1] =	wrdreg $0xFFFFFFFF  }
0xc1: {  	_ =	task.clear_ibuf [dreg:s6], $0x2FFFF;
	_ =	strace $0x9FFFFFFF  }
0xc2: {  	(tm) =	ssettm $0x7FFFFFFF  }
0xc3: {  	_ =	shalt  }
tec
execute0_lowered:
.L_overlay_start_1:
0x0: {  	(tag) =	ssettag $0x1  }
0x1: {  	s0 =	rddreg [dreg:$0x0]  }
0x2: {  	s2 =	rddreg [dreg:$0x1]  }
0x3: {  	s1 =	srdreg.scid;
	s16 =	stileid.u32  }
0x4: {  	s3 =	simm.s32 $0x0;
	s28 =	simm.s32 $0x80;
	s29 =	simm.s32 $0x14000  }
0x5: {  	s30 =	simm.s32 $0x1C080;
	s31 =	simm.s32 $0x1C180;
	s6 =	smul.u32 $0x280, s16  }
0x6: {  	s1 =	sand.u32 $0x1, s1;
	[smem:$0x7FF] =	sst s3;
	s20 =	smul.u32 $0x50000, s16  }
0x7: {  	s4 =	sadd.s32 $0x21C00, s0;
	s9 =	sadd.s32 $0xDC00, s0;
	s11 =	smul.u32 $0x5000, s16  }
0x8: {  	s10 =	sadd.s32 $0x3C00, s0;
	s5 =	sadd.s32 $0x10C200, s0;
	s15 =	smul.u32 $0x2800, s16  }
0x9: {  	s19 =	sadd.s32 $0x10EA00, s0;
	s22 =	sshll.u32 s16, $0x6;
	s7 =	smul.u32 $0x2800, s1  }
0xa: {  	_ =	strace $0x80000047;
	s21 =	ssub.s32 $0x2, s1;
	s12 =	smul.u32 $0x50000, s1  }
0xb: {  	[dreg:$0x3] =	wrdreg s19;
	s1 =	smul.u32 $0x28000, s1;
	s8 =	sshrl.u32 s21, $0x1  }
0xc: {  	s14 =	sor.u32 $0x80, s11;
	s6 =	sadd.s32 s6, s7;
	s7 =	sshrl.u32 s20, $0x2  }
0xd: {  	s1 =	sadd.s32 s15, s1;
	s24 =	sshrl.u32 s14, $0x3;
	s20 =	smul.u32 $0xA00, s16  }
0xe: {  	s6 =	sshll.u32 s6, $0x4;
	s7 =	sadd.s32 s7, s2;
	s25 =	sshrl.u32 s1, $0x3  }
0xf: {  	s15 =	sor.u32 $0x100, s1;
	s0 =	sadd.s32 s6, s0;
	s6 =	ssub.s32 s21, s8  }
0x10: {  	[dreg:$0x4] =	wrdreg s7;
	s8 =	sor.u32 $0x1C05, s22;
	s7 =	sadd.s32 s11, s12  }
0x11: {  	s11 =	sshrl.u32 s11, $0x3;
	s12 =	sadd.s32 s12, s14;
	s14 =	sor.u32 $0x80, s1  }
0x12: {  	s21 =	sshrl.u32 s15, $0x3;
	s13 =	sshrl.u32 s7, $0x3;
	s11 =	sadd.s32 s10, s11  }
0x13: {  	s23 =	sshrl.u32 s12, $0x3;
	s26 =	sadd.s32 $0x15F200, s0;
	[dreg:$0x6] =	wrdreg s11  }
0x14: {  	s0 =	sadd.s32 $0x10F200, s0;
	s18 =	smax.u32 s6, $0x1;
	[dreg:$0x9] =	wrdreg s26  }
0x15: {  	s19 =	sshrl.u32 s14, $0x3;
	s22 =	sor.u32 $0x180, s7;
	[dreg:$0xb] =	wrdreg s0  }
0x16: {  	s13 =	sadd.s32 s9, s13;
	s11 =	sadd.s32 s9, s23;
	[dreg:$0xc] =	wrdreg s18  }
0x17: {  	s17 =	sadd.s32 s10, s19;
	s18 =	sadd.s32 s10, s21;
	[dreg:$0x5] =	wrdreg s13  }
0x18: {  	s19 =	sadd.s32 s20, s10;
	s23 =	sshrl.u32 s22, $0x3;
	[dreg:$0x7] =	wrdreg s11  }
0x19: {  	s11 =	sadd.s32 s10, s24;
	s13 =	sadd.s32 s10, s25;
	s20 =	sadd.s32 s23, s9  }
0x1a: {  	s24 =	sor.u32 $0x100, s7;
	s25 =	sor.u32 $0x200, s1;
	[dreg:$0x8] =	wrdreg s11  }
0x1b: {  	s1 =	sor.u32 $0x180, s1;
	s7 =	simm.s32 $0x3;
	[dreg:$0xa] =	wrdreg s13  }
0x1c: {  	s0 =	sshrl.u32 s24, $0x3;
	s6 =	sshrl.u32 s25, $0x3;
	s26 =	sshrl.u32 s1, $0x3  }
0x1d: {  	s24 =	simm.s32 $0x5;
	s25 =	simm.s32 $0x1C000;
	s1 =	simm.s32 $0x1  }
0x1e: {  	s11 =	simm.s32 $0x0;
	s21 =	sadd.s32 s0, s9;
	s22 =	sadd.s32 s6, s10  }
0x1f: {  	s23 =	sadd.s32 s26, s10;
	s26 =	simm.s32 $0x1C100;
	s0 =	simm.s32 $0x18000  }
0x20: {  	s6 =	simm.s32 $0x2;
	s9 =	simm.s32 $0x4;
	s10 =	simm.s32 $0x6  }
.LBB2_1:
0x21: {  	s12 =	rddreg [dreg:$0x4]  }
0x22: {  	s12 =	sshrl.u32 s12, $0x3  }
0x23: {  	[spmem:s12], [sflag:s8] =	dma.local [hbm:s5], $0x2800  }
0x24: {  	_ =	swait.ge [sflag:s24], $0x2800  }
0x25: {  	[sflag:s24] =	ssyncset.done $0x0  }
0x26: {  	[sflag:s24] =	ssyncadd.s32 $0xFFFFD800  }
0x27: {  	[bflag:$0x0] =	sbarrier.arrive $0xFFFF  }
0x28: {  	s13 =	rddreg [dreg:$0x5]  }
0x29: {  	[tilespmem:s25], [sflag:$0x5] =	stream.linear.gather [hbm4b:s13+s3], $0x80, $0x38;
	[tilespmem:$0x1C200] =	vst v63  }
0x2a: {  	_ =	swait.ge [sflag:s24], $0x80  }
0x2b: {  	[sflag:s24] =	ssyncset.done $0x0  }
0x2c: {  	s14 =	rddreg [dreg:$0x6];
	[sflag:s24] =	ssyncadd.s32 $0xFFFFFF80  }
0x2d: {  	[tilespmem:s26], [sflag:$0x5] =	stream.linear.gather [hbm4b:s14+s3], $0x80, $0x38;
	[tilespmem:$0x1C200] =	vst v63  }
0x2e: {  	_ =	swait.ge [sflag:s24], $0x80  }
0x2f: {  	[sflag:s24] =	ssyncset.done $0x0  }
0x30: {  	[sflag:s24] =	ssyncadd.s32 $0xFFFFFF80  }
0x31: {  	[tilespmem:s29], [sflag:$0x1] =	stream.indirect.gather [hbm4b:s4+s28], $0x80, s25, s28, $0xb8;
	[tilespmem:$0x1C200] =	vst v63  }
0x32: {  	s15 =	rddreg [dreg:$0x7]  }
0x33: {  	[tilespmem:s30], [sflag:$0x5] =	stream.linear.gather [hbm4b:s15+s3], $0x80, $0x38;
	[tilespmem:$0x1C200] =	vst v63  }
0x34: {  	_ =	swait.ge [sflag:s24], $0x80  }
0x35: {  	[sflag:s24] =	ssyncset.done $0x0  }
0x36: {  	s16 =	rddreg [dreg:$0x8];
	[sflag:s24] =	ssyncadd.s32 $0xFFFFFF80  }
0x37: {  	[tilespmem:s31], [sflag:$0x5] =	stream.linear.gather [hbm4b:s16+s3], $0x80, $0x38;
	[tilespmem:$0x1C200] =	vst v63  }
0x38: {  	_ =	swait.ge [sflag:s24], $0x80  }
0x39: {  	[sflag:s24] =	ssyncset.done $0x0  }
0x3a: {  	[sflag:s24] =	ssyncadd.s32 $0xFFFFFF80  }
0x3b: {  	[tilespmem:s0], [sflag:$0x2] =	stream.indirect.gather [hbm4b:s4+s28], $0x80, s30, s28, $0xb8;
	[tilespmem:$0x1C200] =	vst v63  }
0x3c: {  	_ =	swait.ge [sflag:s1], $0x4000  }
0x3d: {  	[sflag:s1] =	ssyncset.done $0x0  }
0x3e: {  	[sflag:s1] =	ssyncadd.s32 $0xFFFFC000  }
0x3f: {  	[spmem:s2] =	stream.indirect.scatter.add.f32 [tilespmem:s29], [sflag:$0x3], $0x80, s26, s28, $0xb8;
	[tilespmem:$0x1C200] =	vst v63  }
0x40: {  	_ =	swait.ge [sflag:s6], $0x4000  }
0x41: {  	[sflag:s6] =	ssyncset.done $0x0  }
0x42: {  	[sflag:s6] =	ssyncadd.s32 $0xFFFFC000  }
0x43: {  	[spmem:s2] =	stream.indirect.scatter.add.f32 [tilespmem:s0], [sflag:$0x4], $0x80, s31, s28, $0xb8;
	[tilespmem:$0x1C200] =	vst v63  }
0x44: {  	_ =	swait.ge [sflag:s7], $0x4000  }
0x45: {  	[sflag:s7] =	ssyncset.done $0x0  }
0x46: {  	s14 =	sadd.s32 $0x0, s21;
	[sflag:s7] =	ssyncadd.s32 $0xFFFFC000  }
0x47: {  	[tilespmem:s25], [sflag:$0x5] =	stream.linear.gather [hbm4b:s14+s3], $0x80, $0x38;
	[tilespmem:$0x1C200] =	vst v63  }
0x48: {  	_ =	swait.ge [sflag:s24], $0x80  }
0x49: {  	s15 =	sadd.s32 $0x0, s19;
	[sflag:s24] =	ssyncset.done $0x0  }
0x4a: {  	s14 =	sadd.s32 $0x20, s15;
	[sflag:s24] =	ssyncadd.s32 $0xFFFFFF80  }
0x4b: {  	[tilespmem:s26], [sflag:$0x5] =	stream.linear.gather [hbm4b:s14+s3], $0x80, $0x38;
	[tilespmem:$0x1C200] =	vst v63  }
0x4c: {  	_ =	swait.ge [sflag:s24], $0x80  }
0x4d: {  	[sflag:s24] =	ssyncset.done $0x0  }
0x4e: {  	[sflag:s24] =	ssyncadd.s32 $0xFFFFFF80  }
0x4f: {  	[tilespmem:s29], [sflag:$0x1] =	stream.indirect.gather [hbm4b:s4+s28], $0x80, s25, s28, $0xb8;
	[tilespmem:$0x1C200] =	vst v63  }
0x50: {  	_ =	swait.ge [sflag:s9], $0x4000  }
0x51: {  	[sflag:s9] =	ssyncset.done $0x0  }
0x52: {  	s16 =	sadd.s32 $0x0, s20;
	[sflag:s9] =	ssyncadd.s32 $0xFFFFC000  }
0x53: {  	[tilespmem:s30], [sflag:$0x5] =	stream.linear.gather [hbm4b:s16+s3], $0x80, $0x38;
	[tilespmem:$0x1C200] =	vst v63  }
0x54: {  	_ =	swait.ge [sflag:s24], $0x80  }
0x55: {  	[sflag:s24] =	ssyncset.done $0x0  }
0x56: {  	s13 =	sadd.s32 $0x30, s15;
	[sflag:s24] =	ssyncadd.s32 $0xFFFFFF80  }
0x57: {  	[tilespmem:s31], [sflag:$0x5] =	stream.linear.gather [hbm4b:s13+s3], $0x80, $0x38;
	[tilespmem:$0x1C200] =	vst v63  }
0x58: {  	_ =	swait.ge [sflag:s24], $0x80  }
0x59: {  	[sflag:s24] =	ssyncset.done $0x0  }
0x5a: {  	s13 =	simm.s32 $0x20;
	[sflag:s24] =	ssyncadd.s32 $0xFFFFFF80  }
.LBB2_2:
0x5b: {  	[tilespmem:s0], [sflag:$0x2] =	stream.indirect.gather [hbm4b:s4+s28], $0x80, s30, s28, $0xb8;
	[tilespmem:$0x1C200] =	vst v63  }
0x5c: {  	s14 =	smov.u32 s13  }
0x5d: {  	p0 =	sne.s32 s13, $0x9C0;
	s13 =	sadd.s32 $0x20, s13;
	_ =	swait.ge [sflag:s1], $0x4000  }
0x5e: {  	[sflag:s1] =	ssyncset.done $0x0  }
0x5f: {  	[sflag:s1] =	ssyncadd.s32 $0xFFFFC000  }
0x60: {  	[spmem:s2] =	stream.indirect.scatter.add.f32 [tilespmem:s29], [sflag:$0x3], $0x80, s26, s28, $0xb8;
	[tilespmem:$0x1C200] =	vst v63  }
0x61: {  	_ =	swait.ge [sflag:s6], $0x4000  }
0x62: {  	[sflag:s6] =	ssyncset.done $0x0  }
0x63: {  	[sflag:s6] =	ssyncadd.s32 $0xFFFFC000  }
0x64: {  	[spmem:s2] =	stream.indirect.scatter.add.f32 [tilespmem:s0], [sflag:$0x4], $0x80, s31, s28, $0xb8;
	[tilespmem:$0x1C200] =	vst v63  }
0x65: {  	_ =	swait.ge [sflag:s7], $0x4000  }
0x66: {  	[sflag:s7] =	ssyncset.done $0x0  }
0x67: {  	s15 =	sadd.s32 s14, s21;
	[sflag:s7] =	ssyncadd.s32 $0xFFFFC000  }
0x68: {  	[tilespmem:s25], [sflag:$0x5] =	stream.linear.gather [hbm4b:s15+s3], $0x80, $0x38;
	[tilespmem:$0x1C200] =	vst v63  }
0x69: {  	_ =	swait.ge [sflag:s24], $0x80  }
0x6a: {  	s15 =	sadd.s32 s14, s19;
	[sflag:s24] =	ssyncset.done $0x0  }
0x6b: {  	s16 =	sadd.s32 $0x20, s15;
	[sflag:s24] =	ssyncadd.s32 $0xFFFFFF80  }
0x6c: {  	[tilespmem:s26], [sflag:$0x5] =	stream.linear.gather [hbm4b:s16+s3], $0x80, $0x38;
	[tilespmem:$0x1C200] =	vst v63  }
0x6d: {  	_ =	swait.ge [sflag:s24], $0x80  }
0x6e: {  	[sflag:s24] =	ssyncset.done $0x0  }
0x6f: {  	[sflag:s24] =	ssyncadd.s32 $0xFFFFFF80  }
0x70: {  	[tilespmem:s29], [sflag:$0x1] =	stream.indirect.gather [hbm4b:s4+s28], $0x80, s25, s28, $0xb8;
	[tilespmem:$0x1C200] =	vst v63  }
0x71: {  	_ =	swait.ge [sflag:s9], $0x4000  }
0x72: {  	[sflag:s9] =	ssyncset.done $0x0  }
0x73: {  	s14 =	sadd.s32 s14, s20;
	[sflag:s9] =	ssyncadd.s32 $0xFFFFC000  }
0x74: {  	[tilespmem:s30], [sflag:$0x5] =	stream.linear.gather [hbm4b:s14+s3], $0x80, $0x38;
	[tilespmem:$0x1C200] =	vst v63  }
0x75: {  	_ =	swait.ge [sflag:s24], $0x80  }
0x76: {  	[sflag:s24] =	ssyncset.done $0x0  }
.Ltmp0:
0x77: {  	s14 =	sadd.s32 $0x30, s15;
	[sflag:s24] =	ssyncadd.s32 $0xFFFFFF80;
	(pc) =	sbr.rel @p0 .LBB2_2-.Ltmp0, $4  }
0x78: {  	[tilespmem:s31], [sflag:$0x5] =	stream.linear.gather [hbm4b:s14+s3], $0x80, $0x38;
	[tilespmem:$0x1C200] =	vst v63  }
0x79: {  	_ =	swait.ge [sflag:s24], $0x80  }
0x7a: {  	[sflag:s24] =	ssyncset.done $0x0  }
0x7b: {  	[sflag:s24] =	ssyncadd.s32 $0xFFFFFF80  }
0x7c: {  	[tilespmem:s0], [sflag:$0x2] =	stream.indirect.gather [hbm4b:s4+s28], $0x80, s30, s28, $0xb8;
	[tilespmem:$0x1C200] =	vst v63  }
0x7d: {  	_ =	swait.ge [sflag:s1], $0x4000  }
0x7e: {  	[sflag:s1] =	ssyncset.done $0x0  }
0x7f: {  	[sflag:s1] =	ssyncadd.s32 $0xFFFFC000  }
0x80: {  	[spmem:s2] =	stream.indirect.scatter.add.f32 [tilespmem:s29], [sflag:$0x3], $0x80, s26, s28, $0xb8;
	[tilespmem:$0x1C200] =	vst v63  }
0x81: {  	_ =	swait.ge [sflag:s6], $0x4000  }
0x82: {  	[sflag:s6] =	ssyncset.done $0x0  }
0x83: {  	[sflag:s6] =	ssyncadd.s32 $0xFFFFC000  }
0x84: {  	[spmem:s2] =	stream.indirect.scatter.add.f32 [tilespmem:s0], [sflag:$0x4], $0x80, s31, s28, $0xb8;
	[tilespmem:$0x1C200] =	vst v63  }
0x85: {  	_ =	swait.ge [sflag:s7], $0x4000  }
0x86: {  	[sflag:s7] =	ssyncset.done $0x0  }
0x87: {  	[sflag:s7] =	ssyncadd.s32 $0xFFFFC000  }
0x88: {  	_ =	swait.ge [sflag:s9], $0x4000  }
0x89: {  	[sflag:s9] =	ssyncset.done $0x0  }
0x8a: {  	[sflag:s9] =	ssyncadd.s32 $0xFFFFC000  }
0x8b: {  	[bflag:$0x0] =	sbarrier.arrive $0xFFFF  }
0x8c: {  	s13 =	rddreg [dreg:$0x9]  }
0x8d: {  	[hbm:s13], [sflag:s8] =	dma.local [spmem:s12], $0x2800  }
0x8e: {  	_ =	swait.ge [sflag:s24], $0x2800  }
0x8f: {  	[sflag:s24] =	ssyncset.done $0x0  }
0x90: {  	[sflag:s24] =	ssyncadd.s32 $0xFFFFD800  }
0x91: {  	[spmem:s12], [sflag:s8] =	dma.local [hbm:s5], $0x2800  }
0x92: {  	_ =	swait.ge [sflag:s24], $0x2800  }
0x93: {  	[sflag:s24] =	ssyncset.done $0x0  }
0x94: {  	s13 =	simm.s32 $0x0;
	s14 =	rddreg [dreg:$0x3];
	[sflag:s24] =	ssyncadd.s32 $0xFFFFD800  }
0x95: {  	[tilespmem:s29], [sflag:$0x5] =	stream.linear.gather [hbm4b:s14+s13], $0x4000, $0x38;
	[tilespmem:$0x1C200] =	vst v63  }
0x96: {  	_ =	swait.ge [sflag:s24], $0x4000  }
0x97: {  	[sflag:s24] =	ssyncset.done $0x0  }
0x98: {  	[sflag:s24] =	ssyncadd.s32 $0xFFFFC000  }
0x99: {  	[bflag:$0x0] =	sbarrier.arrive $0xFFFF  }
0x9a: {  	s16 =	rddreg [dreg:$0xa]  }
0x9b: {  	[tilespmem:s26], [sflag:$0x5] =	stream.linear.gather [hbm4b:s16+s13], $0x80, $0x38;
	[tilespmem:$0x1C200] =	vst v63  }
0x9c: {  	_ =	swait.ge [sflag:s24], $0x80  }
0x9d: {  	[sflag:s24] =	ssyncset.done $0x0  }
0x9e: {  	[sflag:s24] =	ssyncadd.s32 $0xFFFFFF80  }
0x9f: {  	[spmem:s2] =	stream.indirect.scatter.add.f32 [tilespmem:s29], [sflag:$0x3], $0x80, s26, s28, $0xb8;
	[tilespmem:$0x1C200] =	vst v63  }
0xa0: {  	_ = 	snop  }
0xa1: {  	[tilespmem:s31], [sflag:$0x6] =	stream.linear.gather [hbm4b:s17+s13], $0x80, $0x38;
	[tilespmem:$0x1C200] =	vst v63  }
0xa2: {  	_ =	swait.ge [sflag:s10], $0x80  }
0xa3: {  	[sflag:s10] =	ssyncset.done $0x0  }
0xa4: {  	[sflag:s10] =	ssyncadd.s32 $0xFFFFFF80  }
0xa5: {  	[spmem:s2] =	stream.indirect.scatter.add.f32 [tilespmem:s29], [sflag:$0x4], $0x80, s31, s28, $0xb8;
	[tilespmem:$0x1C200] =	vst v63  }
0xa6: {  	_ =	swait.ge [sflag:s7], $0x4000  }
0xa7: {  	[sflag:s7] =	ssyncset.done $0x0  }
0xa8: {  	[sflag:s7] =	ssyncadd.s32 $0xFFFFC000  }
0xa9: {  	[tilespmem:s26], [sflag:$0x5] =	stream.linear.gather [hbm4b:s18+s13], $0x80, $0x38;
	[tilespmem:$0x1C200] =	vst v63  }
0xaa: {  	_ =	swait.ge [sflag:s24], $0x80  }
0xab: {  	[sflag:s24] =	ssyncset.done $0x0  }
0xac: {  	[sflag:s24] =	ssyncadd.s32 $0xFFFFFF80  }
.LBB2_4:
0xad: {  	[spmem:s2] =	stream.indirect.scatter.add.f32 [tilespmem:s29], [sflag:$0x3], $0x80, s26, s28, $0xb8;
	[tilespmem:$0x1C200] =	vst v63  }
0xae: {  	_ =	swait.ge [sflag:s9], $0x4000  }
0xaf: {  	[sflag:s9] =	ssyncset.done $0x0  }
0xb0: {  	s14 =	sadd.s32 s13, s23;
	[sflag:s9] =	ssyncadd.s32 $0xFFFFC000  }
0xb1: {  	[tilespmem:s31], [sflag:$0x6] =	stream.linear.gather [hbm4b:s14+s3], $0x80, $0x38;
	[tilespmem:$0x1C200] =	vst v63  }
0xb2: {  	_ =	swait.ge [sflag:s10], $0x80  }
0xb3: {  	[sflag:s10] =	ssyncset.done $0x0  }
0xb4: {  	p0 =	seq.s32 s13, $0x4C0;
	[sflag:s10] =	ssyncadd.s32 $0xFFFFFF80  }
0xb5: {  	[spmem:s2] =	stream.indirect.scatter.add.f32 [tilespmem:s29], [sflag:$0x4], $0x80, s31, s28, $0xb8;
	[tilespmem:$0x1C200] =	vst v63  }
0xb6: {  	s14 =	sadd.s32 @!p0 s13, s22;
	s13 =	sadd.s32 @!p0 $0x20, s13;
	_ =	swait.ge [sflag:s7], $0x4000  }
0xb7: {  	s15 =	simm.s32 @!p0 $0x0;
	p1 =	sne.s32 @!p0 s13, $0x4E0;
	[sflag:s7] =	ssyncset.done $0x0  }
0xb8: {  	s16 =	simm.s32 @!p0 $0x1C100;
	p1 =	por p0, !p1;
	[sflag:s7] =	ssyncadd.s32 $0xFFFFC000  }
0xb9: {  	[tilespmem:s16], [sflag:$0x5] =	stream.linear.gather @!p0 [hbm4b:s14+s15], $0x80, $0x38;
	[tilespmem:$0x1C200] =	vst v63  }
.Ltmp1:
0xba: {  	_ = 	snop;
	(pc) =	sbr.rel @!p1 .LBB2_4-.Ltmp1, $4  }
0xbb: {  	s14 =	simm.s32 @!p0 $0x5  }
0xbc: {  	_ =	swait.ge @!p0 [sflag:s14], $0x80  }
0xbd: {  	[sflag:s14] =	ssyncset.done @!p0 $0x0  }
0xbe: {  	[sflag:s14] =	ssyncadd.s32 @!p0 $0xFFFFFF80  }
0xbf: {  	_ =	swait.ge [sflag:s9], $0x4000  }
0xc0: {  	[sflag:s9] =	ssyncset.done $0x0  }
0xc1: {  	[sflag:s9] =	ssyncadd.s32 $0xFFFFC000  }
0xc2: {  	[bflag:$0x0] =	sbarrier.arrive $0xFFFF  }
0xc3: {  	s13 =	rddreg [dreg:$0xb]  }
0xc4: {  	[hbm:s13], [sflag:s8] =	dma.local [spmem:s12], $0x2800  }
0xc5: {  	_ =	swait.ge [sflag:s24], $0x2800  }
0xc6: {  	s11 =	sadd.s32 $0x1, s11;
	s16 =	rddreg [dreg:$0xc]  }
0xc7: {  	p0 =	sne.s32 s11, s16  }
.Ltmp2:
0xc8: {  	_ = 	snop;
	(pc) =	sbr.rel @p0 .LBB2_1-.Ltmp2, $3  }
0xc9: {  	_ =	sdelay $0x1  }
0xca: {  	[sflag:s24] =	ssyncset.done $0x0  }
0xcb: {  	[sflag:s24] =	ssyncadd.s32 $0xFFFFD800  }
0xcc: {  	_ =	sfence.sel $0x180000  }
0xcd: {  	[bflag:$0x0] =	sbarrier.arrive $0xFFFF  }
0xce: {  	_ =	strace $0x90000047  }
0xcf: {  	s0 =	stileid.u32;
	[bflag:$0x2] =	sbarrier.arrive $0xFFFF  }
0xd0: {  	p0 =	sne.s32 s0, $0x0;
	s0 =	rddreg [dreg:$0x2]  }
0xd1: {  	s0 =	sadd.s32 @!p0 $0x100000, s0  }
0xd2: {  	[sflag:s0] =	ssyncadd.tile.s32 @!p0 $0x1;
	_ =	shalt  }
.Lfunc_end2:
_tile_overlayer_lowered:
.L_overlay_start_2:
0xd3: {  	(tag) =	ssettag $0x2  }
0xd4: {  	s0 =	rddreg [dreg:$0x0];
	s2 =	stileid.u32  }
0xd5: {  	s1 =	rddreg [dreg:$0x1];
	p0 =	sne.s32 s2, $0x0  }
0xd6: {  	s3 =	rddreg [dreg:$0x2];
	[bflag:$0x3] =	sbarrier.arrive $0xFFFF;
	s2 =	simm.s32 @!p0 $0x1C05  }
0xd7: {  	[timem:s3], [sflag:s2] =	dma.local @!p0 [hbm:s0], s1  }
0xd8: {  	s0 =	simm.s32 @!p0 $0x5  }
0xd9: {  	_ =	swait.ge @!p0 [sflag:s0], s1  }
0xda: {  	s1 =	ssub.s32 @!p0 $0x0, s1;
	[sflag:s0] =	ssyncset.done @!p0 $0x0  }
0xdb: {  	[sflag:s0] =	ssyncadd.s32 @!p0 s1  }
0xdc: {  	[bflag:$0x3] =	sbarrier.arrive $0xFFFF  }
0xdd: {  	_ =	shalt  }

</sc_bundles>
